<compile_context>
chip_gen: v7x
topology: tpu7x:2x2x1
jax: 0.10.2.dev20260603
libtpu: 0.0.44.dev20260713+nightly
codegen_flags: <defaults>
</compile_context>

<pallas_src>
import functools

import jax
import jax.numpy as jnp
from jax import lax
from jax.experimental import pallas as pl
from jax.experimental.pallas import tpu as pltpu
from jax.experimental.pallas import tpu_sc as plsc

N = 10000
E = 320000
HID = 128
NUM_HIDDEN = 3

_NC = 2
_NS = 16
_CH = 32
_CPT = 640
_EPAD = _NS * _CPT * _CH
_HALF = N // _NC
_HPAD = _HALF + 8
_ZROW = _HALF
_HRPS = 312
_ARPS = N // _NS
_ORPS = 624

_NBUF = 2
_IG = 4
_NGRP = _CPT // _IG



def _sc_agg_body(h_hbm, src_hbm, dst_hbm, zeros_hbm, out_hbm,
                 src_v, dst_v, rows_v, h_sh, acc_sh, gsem, isem):
    cid = lax.axis_index("c")
    sid = lax.axis_index("s")

    pltpu.sync_copy(h_hbm.at[pl.ds(cid * _HALF + sid * _HRPS, _HRPS)],
                    h_sh.at[pl.ds(sid * _HRPS, _HRPS)])

    @pl.when(sid == 0)
    def _():
        tail = _HALF - _NS * _HRPS
        pltpu.sync_copy(h_hbm.at[pl.ds(cid * _HALF + _NS * _HRPS, tail)],
                        h_sh.at[pl.ds(_NS * _HRPS, tail)])
        pltpu.sync_copy(zeros_hbm.at[pl.ds(0, _HPAD - _HALF)],
                        h_sh.at[pl.ds(_HALF, _HPAD - _HALF)])

    pltpu.sync_copy(zeros_hbm, acc_sh.at[pl.ds(sid * _ARPS, _ARPS)])

    def _iload(g, p, sem_slot):
        pltpu.async_copy(src_hbm.at[cid, sid, pl.ds(g * _IG, _IG)],
                         src_v.at[p], isem.at[sem_slot])
        pltpu.async_copy(dst_hbm.at[sid, pl.ds(g * _IG, _IG)],
                         dst_v.at[p], isem.at[sem_slot])

    def _iwait(sem_slot):
        for ref, buf in ((src_hbm.at[cid, sid, pl.ds(0, _IG)], src_v.at[0]),
                         (dst_hbm.at[sid, pl.ds(0, _IG)], dst_v.at[0])):
            pltpu.make_async_copy(ref, buf, isem.at[sem_slot]).wait()

    _iload(0, 0, 0)
    _iload(1, 1, 1)
    _iwait(0)
    plsc.subcore_barrier()

    def _gather(p, j, b):
        pltpu.async_copy(h_sh.at[src_v.at[p, j]], rows_v.at[b], gsem.at[b])

    def _scatter(p, j, b):
        pltpu.sync_copy(rows_v.at[b], acc_sh.at[dst_v.at[p, j]], add=True)

    def _gwait(b):
        pltpu.make_async_copy(h_sh.at[src_v.at[0, 0]], rows_v.at[b],
                              gsem.at[b]).wait()

    _gather(0, 0, 0)

    def body(g, carry):
        p = lax.rem(g, 2)
        for j in range(_IG):
            b = j % _NBUF
            _gwait(b)
            if j < _IG - 1:
                _gather(p, j + 1, (j + 1) % _NBUF)
            else:
                @pl.when(g < _NGRP - 1)
                def _():
                    _iwait(1 - p)
                    _gather(1 - p, 0, 0)
            _scatter(p, j, b)
        @pl.when(g < _NGRP - 2)
        def _():
            _iload(g + 2, p, p)
        return carry

    lax.fori_loop(0, _NGRP, body, 0)
    plsc.subcore_barrier()

    pltpu.sync_copy(acc_sh.at[pl.ds(sid * _ORPS, _ORPS)],
                    out_hbm.at[cid, pl.ds(sid * _ORPS, _ORPS)])

    @pl.when(sid == 0)
    def _():
        tail = N - _NS * _ORPS
        pltpu.sync_copy(acc_sh.at[pl.ds(_NS * _ORPS, tail)],
                        out_hbm.at[cid, pl.ds(_NS * _ORPS, tail)])


@jax.jit
def _sc_agg(h, src, dst, zeros):
    mesh = plsc.VectorSubcoreMesh(core_axis_name="c", subcore_axis_name="s")
    return pl.kernel(
        _sc_agg_body,
        out_type=jax.ShapeDtypeStruct((_NC, N, HID), jnp.float32),
        mesh=mesh,
        scratch_types=[
            pltpu.VMEM((2, _IG, _CH), jnp.int32),
            pltpu.VMEM((2, _IG, _CH), jnp.int32),
            pltpu.VMEM((_NBUF, _CH, HID), jnp.float32),
            pltpu.VMEM_SHARED((_HPAD, HID), jnp.float32),
            pltpu.VMEM_SHARED((N, HID), jnp.float32),
            pltpu.SemaphoreType.DMA((_NBUF,)),
            pltpu.SemaphoreType.DMA((2,)),
        ],
    )(h, src, dst, zeros)



_BLK = 1000


def _dense_block(h_ref, w_ref, b_ref, o_ref, *, relu):
    acc = jnp.dot(h_ref[...], w_ref[...],
                  preferred_element_type=jnp.float32) + b_ref[...]
    o_ref[...] = jnp.maximum(acc, 0.0) if relu else acc


def _dense(h, W, b2d, relu):
    dout = W.shape[1]
    return pl.pallas_call(
        functools.partial(_dense_block, relu=relu),
        grid=(N // _BLK,),
        in_specs=[
            pl.BlockSpec((_BLK, HID), lambda i: (i, 0)),
            pl.BlockSpec((HID, dout), lambda i: (0, 0)),
            pl.BlockSpec((1, dout), lambda i: (0, 0)),
        ],
        out_specs=pl.BlockSpec((_BLK, dout), lambda i: (i, 0)),
        out_shape=jax.ShapeDtypeStruct((N, dout), jnp.float32),
    )(h, W, b2d)


def _layer_block(h_ref, a0_ref, a1_ref, w_ref, b_ref, o_ref):
    s = h_ref[...] + a0_ref[0] + a1_ref[0]
    acc = jnp.dot(s, w_ref[...], preferred_element_type=jnp.float32) + b_ref[...]
    o_ref[...] = jnp.maximum(acc, 0.0)


def _layer(h, parts, W, b2d):
    return pl.pallas_call(
        _layer_block,
        grid=(N // _BLK,),
        in_specs=[
            pl.BlockSpec((_BLK, HID), lambda i: (i, 0)),
            pl.BlockSpec((1, _BLK, HID), lambda i: (0, i, 0)),
            pl.BlockSpec((1, _BLK, HID), lambda i: (1, i, 0)),
            pl.BlockSpec((HID, HID), lambda i: (0, 0)),
            pl.BlockSpec((1, HID), lambda i: (0, 0)),
        ],
        out_specs=pl.BlockSpec((_BLK, HID), lambda i: (i, 0)),
        out_shape=jax.ShapeDtypeStruct((N, HID), jnp.float32),
    )(h, parts, parts, W, b2d)



def kernel(x, edge_index, W_enc, b_enc, W_layers, b_layers, W_dec, b_dec):
    pad = _EPAD - E
    srcf = jnp.concatenate(
        [edge_index[0], jnp.full((pad,), -1, jnp.int32)])
    src = jnp.stack(
        [jnp.where((srcf >= c * _HALF) & (srcf < (c + 1) * _HALF),
                   srcf - c * _HALF, _ZROW)
         for c in range(_NC)]).reshape(_NC, _NS, _CPT, _CH)
    dst = jnp.concatenate(
        [edge_index[1], jnp.zeros((pad,), jnp.int32)]).reshape(_NS, _CPT, _CH)
    zeros = jnp.zeros((_ARPS, HID), jnp.float32)

    h = _dense(x, W_enc, b_enc.reshape(1, HID), relu=False)
    for i in range(NUM_HIDDEN):
        parts = _sc_agg(h, src, dst, zeros)
        h = _layer(h, parts, W_layers[i], b_layers[i].reshape(1, HID))

    Wd = jnp.pad(W_dec, ((0, 0), (0, HID - W_dec.shape[1])))
    bd = jnp.pad(b_dec, (0, HID - b_dec.shape[0])).reshape(1, HID)
    out = _dense(h, Wd, bd, relu=False)
    return out[:, : W_dec.shape[1]]

# --- scband reference (transcript-rebuilt; emitter-appended) ---
"""Pipeline reference for scband-gnnbase-model-86964497809701 (READ-ONLY COPY).

The authoritative reference and input builder live on the scoring server;
editing this copy changes nothing except your own understanding.
"""

import jax, jax.numpy as jnp
import numpy as np

N = 10000
E = 320000
IN_CH = 128
HID = 128
NUM_HIDDEN = 3
OUT = 1


def _kaiming_uniform(key, shape, fan_in):
    bound = float(np.sqrt(6.0 / fan_in))
    return jax.random.uniform(key, shape, dtype=jnp.float32, minval=-bound, maxval=bound)


def setup_inputs(seed: int = 0) -> dict:
    key = jax.random.key(seed)
    ks = jax.random.split(key, 8)
    x = jax.random.normal(ks[0], (N, IN_CH), dtype=jnp.float32)
    edge_index = jax.random.randint(ks[1], (2, E), 0, N, dtype=jnp.int32)
    W_enc = _kaiming_uniform(ks[2], (IN_CH, HID), IN_CH)
    b_enc = jnp.zeros((HID,), dtype=jnp.float32)
    W_layers = _kaiming_uniform(ks[3], (NUM_HIDDEN, HID, HID), HID)
    b_layers = jnp.zeros((NUM_HIDDEN, HID), dtype=jnp.float32)
    W_dec = _kaiming_uniform(ks[4], (HID, OUT), HID)
    b_dec = jnp.zeros((OUT,), dtype=jnp.float32)
    return {"x": x, "edge_index": edge_index, "W_enc": W_enc, "b_enc": b_enc,
            "W_layers": W_layers, "b_layers": b_layers, "W_dec": W_dec, "b_dec": b_dec}


def reference(x, edge_index, W_enc, b_enc, W_layers, b_layers, W_dec, b_dec):
    # Config: edge_weights=None, edge_orientation=None, root_gauge_idx=None.
    # forward builds zero edge_weights, keeps edge_index as-is (downstream),
    # adds no self loops, then encoder -> num_hidden message-passing layers -> decoder.
    edge_weights = jnp.zeros((edge_index.shape[1],), dtype=x.dtype)
    xx = x.reshape(x.shape[0], -1)
    x0 = xx @ W_enc + b_enc
    src = edge_index[0]
    dst = edge_index[1]
    h = x0
    for i in range(NUM_HIDDEN):
        # apply_layer (concrete GCN-style realization of the abstract hook):
        # gather neighbor features along edges, scatter-add to destination nodes,
        # combine with current state through the per-layer Linear, then ReLU.
        msg = jnp.take(h, src, axis=0)
        agg = jnp.zeros_like(h).at[dst].add(msg)
        h = jax.nn.relu((h + agg) @ W_layers[i] + b_layers[i])
    out = h @ W_dec + b_dec
    return out

if __name__ == "__main__":
    import jax
    _d = setup_inputs()
    print(jax.jit(kernel)(*tuple(_d.values())))

</pallas_src>

<mosaic_0001>
#map = affine_map<(d0, d1) -> (0, 0)>
#map1 = affine_map<(d0, d1) -> (0, 0, 0, 0)>
#map2 = affine_map<(d0, d1) -> (0, 0, 0)>
module attributes {stable_mosaic.version = 14 : i64} {
  func.func @_sc_agg_body(%arg0: i32, %arg1: i32, %arg2: memref<10000x128xf32, #tpu.memory_space<hbm>>, %arg3: memref<2x16x640x32xi32, #tpu.memory_space<hbm>>, %arg4: memref<16x640x32xi32, #tpu.memory_space<hbm>>, %arg5: memref<625x128xf32, #tpu.memory_space<hbm>>, %arg6: memref<2x10000x128xf32, #tpu.memory_space<hbm>>, %arg7: memref<2x4x32xi32, #tpu.memory_space<vmem>>, %arg8: memref<2x4x32xi32, #tpu.memory_space<vmem>>, %arg9: memref<2x32x128xf32, #tpu.memory_space<vmem>>, %arg10: memref<5008x128xf32, #tpu.memory_space<vmem_shared>>, %arg11: memref<10000x128xf32, #tpu.memory_space<vmem_shared>>, %arg12: memref<2x!tpu.dma_semaphore, #tpu.memory_space<semaphore_mem>>, %arg13: memref<2x!tpu.dma_semaphore, #tpu.memory_space<semaphore_mem>>) attributes {dimension_semantics = [#tpu.dimension_semantics<core_parallel>, #tpu.dimension_semantics<subcore_parallel>], iteration_bounds = array<i64: 2, 16>, scalar_prefetch = 0 : i64, scratch_operands = 7 : i64, tpu.core_type = #tpu.core_type<sc_vector_subcore>, window_params = [{transform_indices = #map}, {transform_indices = #map1}, {transform_indices = #map2}, {transform_indices = #map}, {transform_indices = #map2}]} {
    %mul3A = arith.constant 5000 : i32
    %mul3A_0 = arith.muli %arg0, %mul3A : i32
    %mul3A_1 = arith.constant 312 : i32
    %mul3A_2 = arith.muli %arg1, %mul3A_1 : i32
    %add3A = arith.addi %mul3A_0, %mul3A_2 : i32
    %mul3A_3 = arith.constant 312 : i32
    %mul3A_4 = arith.muli %arg1, %mul3A_3 : i32
    "tpu.region"() ({
      %run_scoped3A = tpu.sem_alloc : memref<!tpu.dma_semaphore, #tpu.memory_space<semaphore_mem>>
      %dma_start3A_158 = arith.constant 0 : i32
      %dma_start3A_159 = tpu.memref_slice %arg10[%mul3A_4, %dma_start3A_158] : memref<5008x128xf32, #tpu.memory_space<vmem_shared>> -> memref<312x128xf32, #tpu.memory_space<vmem_shared>>
      %dma_start3A_160 = arith.constant 0 : i32
      %dma_start3A_161 = tpu.memref_slice %arg2[%add3A, %dma_start3A_160] : memref<10000x128xf32, #tpu.memory_space<hbm>> -> memref<312x128xf32, #tpu.memory_space<hbm>>
      tpu.enqueue_dma source(%dma_start3A_161 : memref<312x128xf32, #tpu.memory_space<hbm>>) target(%dma_start3A_159 : memref<312x128xf32, #tpu.memory_space<vmem_shared>>) target_semaphore(%run_scoped3A : memref<!tpu.dma_semaphore, #tpu.memory_space<semaphore_mem>>)
      %dma_wait3A_162 = arith.constant 0 : i32
      %dma_wait3A_163 = tpu.memref_slice %arg10[%mul3A_4, %dma_wait3A_162] : memref<5008x128xf32, #tpu.memory_space<vmem_shared>> -> memref<312x128xf32, #tpu.memory_space<vmem_shared>>
      %dma_wait3A_164 = arith.constant 0 : i32
      %dma_wait3A_165 = tpu.memref_slice %arg2[%add3A, %dma_wait3A_164] : memref<10000x128xf32, #tpu.memory_space<hbm>> -> memref<312x128xf32, #tpu.memory_space<hbm>>
      tpu.wait_dma2 semaphore(%run_scoped3A : memref<!tpu.dma_semaphore, #tpu.memory_space<semaphore_mem>>) src(%dma_wait3A_165 : memref<312x128xf32, #tpu.memory_space<hbm>>) dst(%dma_wait3A_163 : memref<312x128xf32, #tpu.memory_space<vmem_shared>>)
      tpu.yield
    }) : () -> ()
    %eq3A = arith.constant 0 : i32
    %eq3A_5 = arith.cmpi eq, %arg1, %eq3A : i32
    %convert_element_type3A = arith.extui %eq3A_5 : i1 to i32
    %cond3A = arith.constant 0 : i32
    %cond3A_6 = arith.cmpi ne, %convert_element_type3A, %cond3A : i32
    scf.if %cond3A_6 {
      %mul3A_158 = arith.constant 5000 : i32
      %mul3A_159 = arith.muli %arg0, %mul3A_158 : i32
      %add3A_160 = arith.constant 4992 : i32
      %add3A_161 = arith.addi %mul3A_159, %add3A_160 : i32
      "tpu.region"() ({
        %run_scoped3A = tpu.sem_alloc : memref<!tpu.dma_semaphore, #tpu.memory_space<semaphore_mem>>
        %dma_start3A_162 = arith.constant 4992 : i32
        %dma_start3A_163 = arith.constant 0 : i32
        %dma_start3A_164 = tpu.memref_slice %arg10[%dma_start3A_162, %dma_start3A_163] : memref<5008x128xf32, #tpu.memory_space<vmem_shared>> -> memref<8x128xf32, #tpu.memory_space<vmem_shared>>
        %dma_start3A_165 = arith.constant 0 : i32
        %dma_start3A_166 = tpu.memref_slice %arg2[%add3A_161, %dma_start3A_165] : memref<10000x128xf32, #tpu.memory_space<hbm>> -> memref<8x128xf32, #tpu.memory_space<hbm>>
        tpu.enqueue_dma source(%dma_start3A_166 : memref<8x128xf32, #tpu.memory_space<hbm>>) target(%dma_start3A_164 : memref<8x128xf32, #tpu.memory_space<vmem_shared>>) target_semaphore(%run_scoped3A : memref<!tpu.dma_semaphore, #tpu.memory_space<semaphore_mem>>)
        %dma_wait3A_167 = arith.constant 4992 : i32
        %dma_wait3A_168 = arith.constant 0 : i32
        %dma_wait3A_169 = tpu.memref_slice %arg10[%dma_wait3A_167, %dma_wait3A_168] : memref<5008x128xf32, #tpu.memory_space<vmem_shared>> -> memref<8x128xf32, #tpu.memory_space<vmem_shared>>
        %dma_wait3A_170 = arith.constant 0 : i32
        %dma_wait3A_171 = tpu.memref_slice %arg2[%add3A_161, %dma_wait3A_170] : memref<10000x128xf32, #tpu.memory_space<hbm>> -> memref<8x128xf32, #tpu.memory_space<hbm>>
        tpu.wait_dma2 semaphore(%run_scoped3A : memref<!tpu.dma_semaphore, #tpu.memory_space<semaphore_mem>>) src(%dma_wait3A_171 : memref<8x128xf32, #tpu.memory_space<hbm>>) dst(%dma_wait3A_169 : memref<8x128xf32, #tpu.memory_space<vmem_shared>>)
        tpu.yield
      }) : () -> ()
      "tpu.region"() ({
        %run_scoped3A = tpu.sem_alloc : memref<!tpu.dma_semaphore, #tpu.memory_space<semaphore_mem>>
        %dma_start3A_162 = arith.constant 5000 : i32
        %dma_start3A_163 = arith.constant 0 : i32
        %dma_start3A_164 = tpu.memref_slice %arg10[%dma_start3A_162, %dma_start3A_163] : memref<5008x128xf32, #tpu.memory_space<vmem_shared>> -> memref<8x128xf32, #tpu.memory_space<vmem_shared>>
        %dma_start3A_165 = arith.constant 0 : i32
        %dma_start3A_166 = arith.constant 0 : i32
        %dma_start3A_167 = tpu.memref_slice %arg5[%dma_start3A_165, %dma_start3A_166] : memref<625x128xf32, #tpu.memory_space<hbm>> -> memref<8x128xf32, #tpu.memory_space<hbm>>
        tpu.enqueue_dma source(%dma_start3A_167 : memref<8x128xf32, #tpu.memory_space<hbm>>) target(%dma_start3A_164 : memref<8x128xf32, #tpu.memory_space<vmem_shared>>) target_semaphore(%run_scoped3A : memref<!tpu.dma_semaphore, #tpu.memory_space<semaphore_mem>>)
        %dma_wait3A_168 = arith.constant 5000 : i32
        %dma_wait3A_169 = arith.constant 0 : i32
        %dma_wait3A_170 = tpu.memref_slice %arg10[%dma_wait3A_168, %dma_wait3A_169] : memref<5008x128xf32, #tpu.memory_space<vmem_shared>> -> memref<8x128xf32, #tpu.memory_space<vmem_shared>>
        %dma_wait3A_171 = arith.constant 0 : i32
        %dma_wait3A_172 = arith.constant 0 : i32
        %dma_wait3A_173 = tpu.memref_slice %arg5[%dma_wait3A_171, %dma_wait3A_172] : memref<625x128xf32, #tpu.memory_space<hbm>> -> memref<8x128xf32, #tpu.memory_space<hbm>>
        tpu.wait_dma2 semaphore(%run_scoped3A : memref<!tpu.dma_semaphore, #tpu.memory_space<semaphore_mem>>) src(%dma_wait3A_173 : memref<8x128xf32, #tpu.memory_space<hbm>>) dst(%dma_wait3A_170 : memref<8x128xf32, #tpu.memory_space<vmem_shared>>)
        tpu.yield
      }) : () -> ()
    } else {
    }
    %mul3A_7 = arith.constant 625 : i32
    %mul3A_8 = arith.muli %arg1, %mul3A_7 : i32
    "tpu.region"() ({
      %run_scoped3A = tpu.sem_alloc : memref<!tpu.dma_semaphore, #tpu.memory_space<semaphore_mem>>
      %dma_start3A_158 = arith.constant 0 : i32
      %dma_start3A_159 = tpu.memref_slice %arg11[%mul3A_8, %dma_start3A_158] : memref<10000x128xf32, #tpu.memory_space<vmem_shared>> -> memref<625x128xf32, #tpu.memory_space<vmem_shared>>
      tpu.enqueue_dma source(%arg5 : memref<625x128xf32, #tpu.memory_space<hbm>>) target(%dma_start3A_159 : memref<625x128xf32, #tpu.memory_space<vmem_shared>>) target_semaphore(%run_scoped3A : memref<!tpu.dma_semaphore, #tpu.memory_space<semaphore_mem>>)
      %dma_wait3A_160 = arith.constant 0 : i32
      %dma_wait3A_161 = tpu.memref_slice %arg11[%mul3A_8, %dma_wait3A_160] : memref<10000x128xf32, #tpu.memory_space<vmem_shared>> -> memref<625x128xf32, #tpu.memory_space<vmem_shared>>
      tpu.wait_dma2 semaphore(%run_scoped3A : memref<!tpu.dma_semaphore, #tpu.memory_space<semaphore_mem>>) src(%arg5 : memref<625x128xf32, #tpu.memory_space<hbm>>) dst(%dma_wait3A_161 : memref<625x128xf32, #tpu.memory_space<vmem_shared>>)
      tpu.yield
    }) : () -> ()
    %dma_start3A = arith.constant 0 : i32
    %dma_start3A_9 = arith.constant 0 : i32
    %dma_start3A_10 = arith.constant 0 : i32
    %dma_start3A_11 = arith.constant 0 : i32
    %dma_start3A_12 = tpu.memref_slice %arg7[%dma_start3A, %dma_start3A_10, %dma_start3A_11] : memref<2x4x32xi32, #tpu.memory_space<vmem>> -> memref<1x4x32xi32, #tpu.memory_space<vmem>>
    %dma_start3A_13 = tpu.memref_squeeze %dma_start3A_12 : memref<1x4x32xi32, #tpu.memory_space<vmem>> -> memref<4x32xi32, #tpu.memory_space<vmem>>
    %dma_start3A_14 = arith.constant 0 : i32
    %dma_start3A_15 = arith.constant 0 : i32
    %dma_start3A_16 = tpu.memref_slice %arg3[%arg0, %arg1, %dma_start3A_14, %dma_start3A_15] : memref<2x16x640x32xi32, #tpu.memory_space<hbm>> -> memref<1x1x4x32xi32, #tpu.memory_space<hbm>>
    %dma_start3A_17 = tpu.memref_squeeze %dma_start3A_16 : memref<1x1x4x32xi32, #tpu.memory_space<hbm>> -> memref<4x32xi32, #tpu.memory_space<hbm>>
    %dma_start3A_18 = tpu.memref_slice %arg13[%dma_start3A_9] : memref<2x!tpu.dma_semaphore, #tpu.memory_space<semaphore_mem>> -> memref<1x!tpu.dma_semaphore, #tpu.memory_space<semaphore_mem>>
    %dma_start3A_19 = tpu.memref_squeeze %dma_start3A_18 : memref<1x!tpu.dma_semaphore, #tpu.memory_space<semaphore_mem>> -> memref<!tpu.dma_semaphore, #tpu.memory_space<semaphore_mem>>
    %dma_start3A_20 = arith.constant 0 : i32
    %dma_start3A_21 = arith.constant 0 : i32
    %dma_start3A_22 = tpu.memref_slice %arg7[%dma_start3A, %dma_start3A_20, %dma_start3A_21] : memref<2x4x32xi32, #tpu.memory_space<vmem>> -> memref<1x4x32xi32, #tpu.memory_space<vmem>>
    %dma_start3A_23 = tpu.memref_squeeze %dma_start3A_22 : memref<1x4x32xi32, #tpu.memory_space<vmem>> -> memref<4x32xi32, #tpu.memory_space<vmem>>
    %dma_start3A_24 = arith.constant 0 : i32
    %dma_start3A_25 = arith.constant 0 : i32
    %dma_start3A_26 = tpu.memref_slice %arg3[%arg0, %arg1, %dma_start3A_24, %dma_start3A_25] : memref<2x16x640x32xi32, #tpu.memory_space<hbm>> -> memref<1x1x4x32xi32, #tpu.memory_space<hbm>>
    %dma_start3A_27 = tpu.memref_squeeze %dma_start3A_26 : memref<1x1x4x32xi32, #tpu.memory_space<hbm>> -> memref<4x32xi32, #tpu.memory_space<hbm>>
    tpu.enqueue_dma source(%dma_start3A_27 : memref<4x32xi32, #tpu.memory_space<hbm>>) target(%dma_start3A_23 : memref<4x32xi32, #tpu.memory_space<vmem>>) target_semaphore(%dma_start3A_19 : memref<!tpu.dma_semaphore, #tpu.memory_space<semaphore_mem>>)
    %dma_start3A_28 = arith.constant 0 : i32
    %dma_start3A_29 = arith.constant 0 : i32
    %dma_start3A_30 = arith.constant 0 : i32
    %dma_start3A_31 = arith.constant 0 : i32
    %dma_start3A_32 = tpu.memref_slice %arg8[%dma_start3A_28, %dma_start3A_30, %dma_start3A_31] : memref<2x4x32xi32, #tpu.memory_space<vmem>> -> memref<1x4x32xi32, #tpu.memory_space<vmem>>
    %dma_start3A_33 = tpu.memref_squeeze %dma_start3A_32 : memref<1x4x32xi32, #tpu.memory_space<vmem>> -> memref<4x32xi32, #tpu.memory_space<vmem>>
    %dma_start3A_34 = arith.constant 0 : i32
    %dma_start3A_35 = arith.constant 0 : i32
    %dma_start3A_36 = tpu.memref_slice %arg4[%arg1, %dma_start3A_34, %dma_start3A_35] : memref<16x640x32xi32, #tpu.memory_space<hbm>> -> memref<1x4x32xi32, #tpu.memory_space<hbm>>
    %dma_start3A_37 = tpu.memref_squeeze %dma_start3A_36 : memref<1x4x32xi32, #tpu.memory_space<hbm>> -> memref<4x32xi32, #tpu.memory_space<hbm>>
    %dma_start3A_38 = tpu.memref_slice %arg13[%dma_start3A_29] : memref<2x!tpu.dma_semaphore, #tpu.memory_space<semaphore_mem>> -> memref<1x!tpu.dma_semaphore, #tpu.memory_space<semaphore_mem>>
    %dma_start3A_39 = tpu.memref_squeeze %dma_start3A_38 : memref<1x!tpu.dma_semaphore, #tpu.memory_space<semaphore_mem>> -> memref<!tpu.dma_semaphore, #tpu.memory_space<semaphore_mem>>
    %dma_start3A_40 = arith.constant 0 : i32
    %dma_start3A_41 = arith.constant 0 : i32
    %dma_start3A_42 = tpu.memref_slice %arg8[%dma_start3A_28, %dma_start3A_40, %dma_start3A_41] : memref<2x4x32xi32, #tpu.memory_space<vmem>> -> memref<1x4x32xi32, #tpu.memory_space<vmem>>
    %dma_start3A_43 = tpu.memref_squeeze %dma_start3A_42 : memref<1x4x32xi32, #tpu.memory_space<vmem>> -> memref<4x32xi32, #tpu.memory_space<vmem>>
    %dma_start3A_44 = arith.constant 0 : i32
    %dma_start3A_45 = arith.constant 0 : i32
    %dma_start3A_46 = tpu.memref_slice %arg4[%arg1, %dma_start3A_44, %dma_start3A_45] : memref<16x640x32xi32, #tpu.memory_space<hbm>> -> memref<1x4x32xi32, #tpu.memory_space<hbm>>
    %dma_start3A_47 = tpu.memref_squeeze %dma_start3A_46 : memref<1x4x32xi32, #tpu.memory_space<hbm>> -> memref<4x32xi32, #tpu.memory_space<hbm>>
    tpu.enqueue_dma source(%dma_start3A_47 : memref<4x32xi32, #tpu.memory_space<hbm>>) target(%dma_start3A_43 : memref<4x32xi32, #tpu.memory_space<vmem>>) target_semaphore(%dma_start3A_39 : memref<!tpu.dma_semaphore, #tpu.memory_space<semaphore_mem>>)
    %dma_start3A_48 = arith.constant 1 : i32
    %dma_start3A_49 = arith.constant 1 : i32
    %dma_start3A_50 = arith.constant 0 : i32
    %dma_start3A_51 = arith.constant 0 : i32
    %dma_start3A_52 = tpu.memref_slice %arg7[%dma_start3A_48, %dma_start3A_50, %dma_start3A_51] : memref<2x4x32xi32, #tpu.memory_space<vmem>> -> memref<1x4x32xi32, #tpu.memory_space<vmem>>
    %dma_start3A_53 = tpu.memref_squeeze %dma_start3A_52 : memref<1x4x32xi32, #tpu.memory_space<vmem>> -> memref<4x32xi32, #tpu.memory_space<vmem>>
    %dma_start3A_54 = arith.constant 4 : i32
    %dma_start3A_55 = arith.constant 0 : i32
    %dma_start3A_56 = tpu.memref_slice %arg3[%arg0, %arg1, %dma_start3A_54, %dma_start3A_55] : memref<2x16x640x32xi32, #tpu.memory_space<hbm>> -> memref<1x1x4x32xi32, #tpu.memory_space<hbm>>
    %dma_start3A_57 = tpu.memref_squeeze %dma_start3A_56 : memref<1x1x4x32xi32, #tpu.memory_space<hbm>> -> memref<4x32xi32, #tpu.memory_space<hbm>>
    %dma_start3A_58 = tpu.memref_slice %arg13[%dma_start3A_49] : memref<2x!tpu.dma_semaphore, #tpu.memory_space<semaphore_mem>> -> memref<1x!tpu.dma_semaphore, #tpu.memory_space<semaphore_mem>>
    %dma_start3A_59 = tpu.memref_squeeze %dma_start3A_58 : memref<1x!tpu.dma_semaphore, #tpu.memory_space<semaphore_mem>> -> memref<!tpu.dma_semaphore, #tpu.memory_space<semaphore_mem>>
    %dma_start3A_60 = arith.constant 0 : i32
    %dma_start3A_61 = arith.constant 0 : i32
    %dma_start3A_62 = tpu.memref_slice %arg7[%dma_start3A_48, %dma_start3A_60, %dma_start3A_61] : memref<2x4x32xi32, #tpu.memory_space<vmem>> -> memref<1x4x32xi32, #tpu.memory_space<vmem>>
    %dma_start3A_63 = tpu.memref_squeeze %dma_start3A_62 : memref<1x4x32xi32, #tpu.memory_space<vmem>> -> memref<4x32xi32, #tpu.memory_space<vmem>>
    %dma_start3A_64 = arith.constant 4 : i32
    %dma_start3A_65 = arith.constant 0 : i32
    %dma_start3A_66 = tpu.memref_slice %arg3[%arg0, %arg1, %dma_start3A_64, %dma_start3A_65] : memref<2x16x640x32xi32, #tpu.memory_space<hbm>> -> memref<1x1x4x32xi32, #tpu.memory_space<hbm>>
    %dma_start3A_67 = tpu.memref_squeeze %dma_start3A_66 : memref<1x1x4x32xi32, #tpu.memory_space<hbm>> -> memref<4x32xi32, #tpu.memory_space<hbm>>
    tpu.enqueue_dma source(%dma_start3A_67 : memref<4x32xi32, #tpu.memory_space<hbm>>) target(%dma_start3A_63 : memref<4x32xi32, #tpu.memory_space<vmem>>) target_semaphore(%dma_start3A_59 : memref<!tpu.dma_semaphore, #tpu.memory_space<semaphore_mem>>)
    %dma_start3A_68 = arith.constant 1 : i32
    %dma_start3A_69 = arith.constant 1 : i32
    %dma_start3A_70 = arith.constant 0 : i32
    %dma_start3A_71 = arith.constant 0 : i32
    %dma_start3A_72 = tpu.memref_slice %arg8[%dma_start3A_68, %dma_start3A_70, %dma_start3A_71] : memref<2x4x32xi32, #tpu.memory_space<vmem>> -> memref<1x4x32xi32, #tpu.memory_space<vmem>>
    %dma_start3A_73 = tpu.memref_squeeze %dma_start3A_72 : memref<1x4x32xi32, #tpu.memory_space<vmem>> -> memref<4x32xi32, #tpu.memory_space<vmem>>
    %dma_start3A_74 = arith.constant 4 : i32
    %dma_start3A_75 = arith.constant 0 : i32
    %dma_start3A_76 = tpu.memref_slice %arg4[%arg1, %dma_start3A_74, %dma_start3A_75] : memref<16x640x32xi32, #tpu.memory_space<hbm>> -> memref<1x4x32xi32, #tpu.memory_space<hbm>>
    %dma_start3A_77 = tpu.memref_squeeze %dma_start3A_76 : memref<1x4x32xi32, #tpu.memory_space<hbm>> -> memref<4x32xi32, #tpu.memory_space<hbm>>
    %dma_start3A_78 = tpu.memref_slice %arg13[%dma_start3A_69] : memref<2x!tpu.dma_semaphore, #tpu.memory_space<semaphore_mem>> -> memref<1x!tpu.dma_semaphore, #tpu.memory_space<semaphore_mem>>
    %dma_start3A_79 = tpu.memref_squeeze %dma_start3A_78 : memref<1x!tpu.dma_semaphore, #tpu.memory_space<semaphore_mem>> -> memref<!tpu.dma_semaphore, #tpu.memory_space<semaphore_mem>>
    %dma_start3A_80 = arith.constant 0 : i32
    %dma_start3A_81 = arith.constant 0 : i32
    %dma_start3A_82 = tpu.memref_slice %arg8[%dma_start3A_68, %dma_start3A_80, %dma_start3A_81] : memref<2x4x32xi32, #tpu.memory_space<vmem>> -> memref<1x4x32xi32, #tpu.memory_space<vmem>>
    %dma_start3A_83 = tpu.memref_squeeze %dma_start3A_82 : memref<1x4x32xi32, #tpu.memory_space<vmem>> -> memref<4x32xi32, #tpu.memory_space<vmem>>
    %dma_start3A_84 = arith.constant 4 : i32
    %dma_start3A_85 = arith.constant 0 : i32
    %dma_start3A_86 = tpu.memref_slice %arg4[%arg1, %dma_start3A_84, %dma_start3A_85] : memref<16x640x32xi32, #tpu.memory_space<hbm>> -> memref<1x4x32xi32, #tpu.memory_space<hbm>>
    %dma_start3A_87 = tpu.memref_squeeze %dma_start3A_86 : memref<1x4x32xi32, #tpu.memory_space<hbm>> -> memref<4x32xi32, #tpu.memory_space<hbm>>
    tpu.enqueue_dma source(%dma_start3A_87 : memref<4x32xi32, #tpu.memory_space<hbm>>) target(%dma_start3A_83 : memref<4x32xi32, #tpu.memory_space<vmem>>) target_semaphore(%dma_start3A_79 : memref<!tpu.dma_semaphore, #tpu.memory_space<semaphore_mem>>)
    %dma_wait3A = arith.constant 0 : i32
    %dma_wait3A_88 = arith.constant 0 : i32
    %dma_wait3A_89 = arith.constant 0 : i32
    %dma_wait3A_90 = arith.constant 0 : i32
    %dma_wait3A_91 = tpu.memref_slice %arg7[%dma_wait3A, %dma_wait3A_89, %dma_wait3A_90] : memref<2x4x32xi32, #tpu.memory_space<vmem>> -> memref<1x4x32xi32, #tpu.memory_space<vmem>>
    %dma_wait3A_92 = tpu.memref_squeeze %dma_wait3A_91 : memref<1x4x32xi32, #tpu.memory_space<vmem>> -> memref<4x32xi32, #tpu.memory_space<vmem>>
    %dma_wait3A_93 = arith.constant 0 : i32
    %dma_wait3A_94 = arith.constant 0 : i32
    %dma_wait3A_95 = tpu.memref_slice %arg3[%arg0, %arg1, %dma_wait3A_93, %dma_wait3A_94] : memref<2x16x640x32xi32, #tpu.memory_space<hbm>> -> memref<1x1x4x32xi32, #tpu.memory_space<hbm>>
    %dma_wait3A_96 = tpu.memref_squeeze %dma_wait3A_95 : memref<1x1x4x32xi32, #tpu.memory_space<hbm>> -> memref<4x32xi32, #tpu.memory_space<hbm>>
    %dma_wait3A_97 = tpu.memref_slice %arg13[%dma_wait3A_88] : memref<2x!tpu.dma_semaphore, #tpu.memory_space<semaphore_mem>> -> memref<1x!tpu.dma_semaphore, #tpu.memory_space<semaphore_mem>>
    %dma_wait3A_98 = tpu.memref_squeeze %dma_wait3A_97 : memref<1x!tpu.dma_semaphore, #tpu.memory_space<semaphore_mem>> -> memref<!tpu.dma_semaphore, #tpu.memory_space<semaphore_mem>>
    %dma_wait3A_99 = arith.constant 0 : i32
    %dma_wait3A_100 = arith.constant 0 : i32
    %dma_wait3A_101 = tpu.memref_slice %arg7[%dma_wait3A, %dma_wait3A_99, %dma_wait3A_100] : memref<2x4x32xi32, #tpu.memory_space<vmem>> -> memref<1x4x32xi32, #tpu.memory_space<vmem>>
    %dma_wait3A_102 = tpu.memref_squeeze %dma_wait3A_101 : memref<1x4x32xi32, #tpu.memory_space<vmem>> -> memref<4x32xi32, #tpu.memory_space<vmem>>
    %dma_wait3A_103 = arith.constant 0 : i32
    %dma_wait3A_104 = arith.constant 0 : i32
    %dma_wait3A_105 = tpu.memref_slice %arg3[%arg0, %arg1, %dma_wait3A_103, %dma_wait3A_104] : memref<2x16x640x32xi32, #tpu.memory_space<hbm>> -> memref<1x1x4x32xi32, #tpu.memory_space<hbm>>
    %dma_wait3A_106 = tpu.memref_squeeze %dma_wait3A_105 : memref<1x1x4x32xi32, #tpu.memory_space<hbm>> -> memref<4x32xi32, #tpu.memory_space<hbm>>
    tpu.wait_dma2 semaphore(%dma_wait3A_98 : memref<!tpu.dma_semaphore, #tpu.memory_space<semaphore_mem>>) src(%dma_wait3A_106 : memref<4x32xi32, #tpu.memory_space<hbm>>) dst(%dma_wait3A_102 : memref<4x32xi32, #tpu.memory_space<vmem>>)
    %dma_wait3A_107 = arith.constant 0 : i32
    %dma_wait3A_108 = arith.constant 0 : i32
    %dma_wait3A_109 = arith.constant 0 : i32
    %dma_wait3A_110 = arith.constant 0 : i32
    %dma_wait3A_111 = tpu.memref_slice %arg8[%dma_wait3A_107, %dma_wait3A_109, %dma_wait3A_110] : memref<2x4x32xi32, #tpu.memory_space<vmem>> -> memref<1x4x32xi32, #tpu.memory_space<vmem>>
    %dma_wait3A_112 = tpu.memref_squeeze %dma_wait3A_111 : memref<1x4x32xi32, #tpu.memory_space<vmem>> -> memref<4x32xi32, #tpu.memory_space<vmem>>
    %dma_wait3A_113 = arith.constant 0 : i32
    %dma_wait3A_114 = arith.constant 0 : i32
    %dma_wait3A_115 = tpu.memref_slice %arg4[%arg1, %dma_wait3A_113, %dma_wait3A_114] : memref<16x640x32xi32, #tpu.memory_space<hbm>> -> memref<1x4x32xi32, #tpu.memory_space<hbm>>
    %dma_wait3A_116 = tpu.memref_squeeze %dma_wait3A_115 : memref<1x4x32xi32, #tpu.memory_space<hbm>> -> memref<4x32xi32, #tpu.memory_space<hbm>>
    %dma_wait3A_117 = tpu.memref_slice %arg13[%dma_wait3A_108] : memref<2x!tpu.dma_semaphore, #tpu.memory_space<semaphore_mem>> -> memref<1x!tpu.dma_semaphore, #tpu.memory_space<semaphore_mem>>
    %dma_wait3A_118 = tpu.memref_squeeze %dma_wait3A_117 : memref<1x!tpu.dma_semaphore, #tpu.memory_space<semaphore_mem>> -> memref<!tpu.dma_semaphore, #tpu.memory_space<semaphore_mem>>
    %dma_wait3A_119 = arith.constant 0 : i32
    %dma_wait3A_120 = arith.constant 0 : i32
    %dma_wait3A_121 = tpu.memref_slice %arg8[%dma_wait3A_107, %dma_wait3A_119, %dma_wait3A_120] : memref<2x4x32xi32, #tpu.memory_space<vmem>> -> memref<1x4x32xi32, #tpu.memory_space<vmem>>
    %dma_wait3A_122 = tpu.memref_squeeze %dma_wait3A_121 : memref<1x4x32xi32, #tpu.memory_space<vmem>> -> memref<4x32xi32, #tpu.memory_space<vmem>>
    %dma_wait3A_123 = arith.constant 0 : i32
    %dma_wait3A_124 = arith.constant 0 : i32
    %dma_wait3A_125 = tpu.memref_slice %arg4[%arg1, %dma_wait3A_123, %dma_wait3A_124] : memref<16x640x32xi32, #tpu.memory_space<hbm>> -> memref<1x4x32xi32, #tpu.memory_space<hbm>>
    %dma_wait3A_126 = tpu.memref_squeeze %dma_wait3A_125 : memref<1x4x32xi32, #tpu.memory_space<hbm>> -> memref<4x32xi32, #tpu.memory_space<hbm>>
    tpu.wait_dma2 semaphore(%dma_wait3A_118 : memref<!tpu.dma_semaphore, #tpu.memory_space<semaphore_mem>>) src(%dma_wait3A_126 : memref<4x32xi32, #tpu.memory_space<hbm>>) dst(%dma_wait3A_122 : memref<4x32xi32, #tpu.memory_space<vmem>>)
    %barrier3A = arith.constant 0 : index
    tpu.barrier barrier_id(%barrier3A)
    %dma_start3A_127 = arith.constant 0 : i32
    %dma_start3A_128 = arith.constant 0 : i32
    %dma_start3A_129 = arith.constant 0 : i32
    %dma_start3A_130 = arith.constant 0 : i32
    %dma_start3A_131 = arith.constant 0 : i32
    %dma_start3A_132 = arith.constant 0 : i32
    %dma_start3A_133 = tpu.memref_slice %arg9[%dma_start3A_129, %dma_start3A_131, %dma_start3A_132] : memref<2x32x128xf32, #tpu.memory_space<vmem>> -> memref<1x32x128xf32, #tpu.memory_space<vmem>>
    %dma_start3A_134 = tpu.memref_squeeze %dma_start3A_133 : memref<1x32x128xf32, #tpu.memory_space<vmem>> -> memref<32x128xf32, #tpu.memory_space<vmem>>
    %dma_start3A_135 = arith.constant 0 : i32
    %dma_start3A_136 = tpu.memref_slice %arg7[%dma_start3A_127, %dma_start3A_128, %dma_start3A_135] : memref<2x4x32xi32, #tpu.memory_space<vmem>> -> memref<1x1x32xi32, #tpu.memory_space<vmem>>
    %dma_start3A_137 = tpu.memref_squeeze %dma_start3A_136 : memref<1x1x32xi32, #tpu.memory_space<vmem>> -> memref<32xi32, #tpu.memory_space<vmem>>
    %dma_start3A_138 = arith.constant 0 : i32
    %dma_start3A_139 = arith.constant 0 : i32
    %dma_start3A_140 = tpu.memref_slice %arg10[%dma_start3A_138, %dma_start3A_139] : memref<5008x128xf32, #tpu.memory_space<vmem_shared>> -> memref<5008x128xf32, #tpu.memory_space<vmem_shared>>
    %dma_start3A_141 = tpu.memref_slice %arg12[%dma_start3A_130] : memref<2x!tpu.dma_semaphore, #tpu.memory_space<semaphore_mem>> -> memref<1x!tpu.dma_semaphore, #tpu.memory_space<semaphore_mem>>
    %dma_start3A_142 = tpu.memref_squeeze %dma_start3A_141 : memref<1x!tpu.dma_semaphore, #tpu.memory_space<semaphore_mem>> -> memref<!tpu.dma_semaphore, #tpu.memory_space<semaphore_mem>>
    tpu.enqueue_indirect_dma source(%dma_start3A_140 : memref<5008x128xf32, #tpu.memory_space<vmem_shared>>) target(%dma_start3A_134 : memref<32x128xf32, #tpu.memory_space<vmem>>) offsets(%dma_start3A_137 : memref<32xi32, #tpu.memory_space<vmem>>) semaphore(%dma_start3A_142 : memref<!tpu.dma_semaphore, #tpu.memory_space<semaphore_mem>>)
    %scan3A = arith.constant 0 : i32
    %scan3A_143 = arith.constant 0 : i32
    %scan3A_144 = arith.constant 160 : i32
    %scan3A_145 = arith.addi %scan3A_143, %scan3A_144 : i32
    %scan3A_146 = arith.constant 1 : i32
    scf.for %scan3A_158 = %scan3A_143 to %scan3A_145 step %scan3A_146  : i32 {
      %rem3A = arith.constant 2 : i32
      %rem3A_159 = arith.remsi %scan3A_158, %rem3A : i32
      %dma_wait3A_160 = arith.constant 0 : i32
      %dma_wait3A_161 = arith.constant 0 : i32
      %dma_wait3A_162 = arith.constant 0 : i32
      %dma_wait3A_163 = arith.constant 0 : i32
      %dma_wait3A_164 = arith.constant 0 : i32
      %dma_wait3A_165 = arith.constant 0 : i32
      %dma_wait3A_166 = tpu.memref_slice %arg9[%dma_wait3A_162, %dma_wait3A_164, %dma_wait3A_165] : memref<2x32x128xf32, #tpu.memory_space<vmem>> -> memref<1x32x128xf32, #tpu.memory_space<vmem>>
      %dma_wait3A_167 = tpu.memref_squeeze %dma_wait3A_166 : memref<1x32x128xf32, #tpu.memory_space<vmem>> -> memref<32x128xf32, #tpu.memory_space<vmem>>
      %dma_wait3A_168 = arith.constant 0 : i32
      %dma_wait3A_169 = tpu.memref_slice %arg7[%dma_wait3A_160, %dma_wait3A_161, %dma_wait3A_168] : memref<2x4x32xi32, #tpu.memory_space<vmem>> -> memref<1x1x32xi32, #tpu.memory_space<vmem>>
      %dma_wait3A_170 = tpu.memref_squeeze %dma_wait3A_169 : memref<1x1x32xi32, #tpu.memory_space<vmem>> -> memref<32xi32, #tpu.memory_space<vmem>>
      %dma_wait3A_171 = arith.constant 0 : i32
      %dma_wait3A_172 = arith.constant 0 : i32
      %dma_wait3A_173 = tpu.memref_slice %arg10[%dma_wait3A_171, %dma_wait3A_172] : memref<5008x128xf32, #tpu.memory_space<vmem_shared>> -> memref<5008x128xf32, #tpu.memory_space<vmem_shared>>
      %dma_wait3A_174 = tpu.memref_slice %arg12[%dma_wait3A_163] : memref<2x!tpu.dma_semaphore, #tpu.memory_space<semaphore_mem>> -> memref<1x!tpu.dma_semaphore, #tpu.memory_space<semaphore_mem>>
      %dma_wait3A_175 = tpu.memref_squeeze %dma_wait3A_174 : memref<1x!tpu.dma_semaphore, #tpu.memory_space<semaphore_mem>> -> memref<!tpu.dma_semaphore, #tpu.memory_space<semaphore_mem>>
      tpu.wait_indirect_dma semaphore(%dma_wait3A_175 : memref<!tpu.dma_semaphore, #tpu.memory_space<semaphore_mem>>) src(%dma_wait3A_173 : memref<5008x128xf32, #tpu.memory_space<vmem_shared>>) dst(%dma_wait3A_167 : memref<32x128xf32, #tpu.memory_space<vmem>>)
      %dma_start3A_176 = arith.constant 1 : i32
      %dma_start3A_177 = arith.constant 1 : i32
      %dma_start3A_178 = arith.constant 1 : i32
      %dma_start3A_179 = arith.constant 0 : i32
      %dma_start3A_180 = arith.constant 0 : i32
      %dma_start3A_181 = tpu.memref_slice %arg9[%dma_start3A_177, %dma_start3A_179, %dma_start3A_180] : memref<2x32x128xf32, #tpu.memory_space<vmem>> -> memref<1x32x128xf32, #tpu.memory_space<vmem>>
      %dma_start3A_182 = tpu.memref_squeeze %dma_start3A_181 : memref<1x32x128xf32, #tpu.memory_space<vmem>> -> memref<32x128xf32, #tpu.memory_space<vmem>>
      %dma_start3A_183 = arith.constant 0 : i32
      %dma_start3A_184 = tpu.memref_slice %arg7[%rem3A_159, %dma_start3A_176, %dma_start3A_183] : memref<2x4x32xi32, #tpu.memory_space<vmem>> -> memref<1x1x32xi32, #tpu.memory_space<vmem>>
      %dma_start3A_185 = tpu.memref_squeeze %dma_start3A_184 : memref<1x1x32xi32, #tpu.memory_space<vmem>> -> memref<32xi32, #tpu.memory_space<vmem>>
      %dma_start3A_186 = arith.constant 0 : i32
      %dma_start3A_187 = arith.constant 0 : i32
      %dma_start3A_188 = tpu.memref_slice %arg10[%dma_start3A_186, %dma_start3A_187] : memref<5008x128xf32, #tpu.memory_space<vmem_shared>> -> memref<5008x128xf32, #tpu.memory_space<vmem_shared>>
      %dma_start3A_189 = tpu.memref_slice %arg12[%dma_start3A_178] : memref<2x!tpu.dma_semaphore, #tpu.memory_space<semaphore_mem>> -> memref<1x!tpu.dma_semaphore, #tpu.memory_space<semaphore_mem>>
      %dma_start3A_190 = tpu.memref_squeeze %dma_start3A_189 : memref<1x!tpu.dma_semaphore, #tpu.memory_space<semaphore_mem>> -> memref<!tpu.dma_semaphore, #tpu.memory_space<semaphore_mem>>
      tpu.enqueue_indirect_dma source(%dma_start3A_188 : memref<5008x128xf32, #tpu.memory_space<vmem_shared>>) target(%dma_start3A_182 : memref<32x128xf32, #tpu.memory_space<vmem>>) offsets(%dma_start3A_185 : memref<32xi32, #tpu.memory_space<vmem>>) semaphore(%dma_start3A_190 : memref<!tpu.dma_semaphore, #tpu.memory_space<semaphore_mem>>)
      %run_scoped3A = arith.constant 0 : i32
      %run_scoped3A_191 = arith.constant 0 : i32
      "tpu.region"() ({
        %run_scoped3A_285 = tpu.sem_alloc : memref<!tpu.dma_semaphore, #tpu.memory_space<semaphore_mem>>
        %dma_start3A_286 = arith.constant 0 : i32
        %dma_start3A_287 = arith.constant 0 : i32
        %dma_start3A_288 = tpu.memref_slice %arg9[%run_scoped3A, %dma_start3A_286, %dma_start3A_287] : memref<2x32x128xf32, #tpu.memory_space<vmem>> -> memref<1x32x128xf32, #tpu.memory_space<vmem>>
        %dma_start3A_289 = tpu.memref_squeeze %dma_start3A_288 : memref<1x32x128xf32, #tpu.memory_space<vmem>> -> memref<32x128xf32, #tpu.memory_space<vmem>>
        %dma_start3A_290 = arith.constant 0 : i32
        %dma_start3A_291 = tpu.memref_slice %arg8[%rem3A_159, %run_scoped3A_191, %dma_start3A_290] : memref<2x4x32xi32, #tpu.memory_space<vmem>> -> memref<1x1x32xi32, #tpu.memory_space<vmem>>
        %dma_start3A_292 = tpu.memref_squeeze %dma_start3A_291 : memref<1x1x32xi32, #tpu.memory_space<vmem>> -> memref<32xi32, #tpu.memory_space<vmem>>
        %dma_start3A_293 = arith.constant 0 : i32
        %dma_start3A_294 = arith.constant 0 : i32
        %dma_start3A_295 = tpu.memref_slice %arg11[%dma_start3A_293, %dma_start3A_294] : memref<10000x128xf32, #tpu.memory_space<vmem_shared>> -> memref<10000x128xf32, #tpu.memory_space<vmem_shared>>
        tpu.enqueue_indirect_dma source(%dma_start3A_289 : memref<32x128xf32, #tpu.memory_space<vmem>>) target(%dma_start3A_295 : memref<10000x128xf32, #tpu.memory_space<vmem_shared>>) offsets(%dma_start3A_292 : memref<32xi32, #tpu.memory_space<vmem>>) semaphore(%run_scoped3A_285 : memref<!tpu.dma_semaphore, #tpu.memory_space<semaphore_mem>>) {add = true}
        %dma_wait3A_296 = arith.constant 0 : i32
        %dma_wait3A_297 = arith.constant 0 : i32
        %dma_wait3A_298 = tpu.memref_slice %arg9[%run_scoped3A, %dma_wait3A_296, %dma_wait3A_297] : memref<2x32x128xf32, #tpu.memory_space<vmem>> -> memref<1x32x128xf32, #tpu.memory_space<vmem>>
        %dma_wait3A_299 = tpu.memref_squeeze %dma_wait3A_298 : memref<1x32x128xf32, #tpu.memory_space<vmem>> -> memref<32x128xf32, #tpu.memory_space<vmem>>
        %dma_wait3A_300 = arith.constant 0 : i32
        %dma_wait3A_301 = tpu.memref_slice %arg8[%rem3A_159, %run_scoped3A_191, %dma_wait3A_300] : memref<2x4x32xi32, #tpu.memory_space<vmem>> -> memref<1x1x32xi32, #tpu.memory_space<vmem>>
        %dma_wait3A_302 = tpu.memref_squeeze %dma_wait3A_301 : memref<1x1x32xi32, #tpu.memory_space<vmem>> -> memref<32xi32, #tpu.memory_space<vmem>>
        %dma_wait3A_303 = arith.constant 0 : i32
        %dma_wait3A_304 = arith.constant 0 : i32
        %dma_wait3A_305 = tpu.memref_slice %arg11[%dma_wait3A_303, %dma_wait3A_304] : memref<10000x128xf32, #tpu.memory_space<vmem_shared>> -> memref<10000x128xf32, #tpu.memory_space<vmem_shared>>
        tpu.wait_indirect_dma semaphore(%run_scoped3A_285 : memref<!tpu.dma_semaphore, #tpu.memory_space<semaphore_mem>>) src(%dma_wait3A_299 : memref<32x128xf32, #tpu.memory_space<vmem>>) dst(%dma_wait3A_305 : memref<10000x128xf32, #tpu.memory_space<vmem_shared>>)
        tpu.yield
      }) : () -> ()
      %dma_wait3A_192 = arith.constant 0 : i32
      %dma_wait3A_193 = arith.constant 0 : i32
      %dma_wait3A_194 = arith.constant 1 : i32
      %dma_wait3A_195 = arith.constant 1 : i32
      %dma_wait3A_196 = arith.constant 0 : i32
      %dma_wait3A_197 = arith.constant 0 : i32
      %dma_wait3A_198 = tpu.memref_slice %arg9[%dma_wait3A_194, %dma_wait3A_196, %dma_wait3A_197] : memref<2x32x128xf32, #tpu.memory_space<vmem>> -> memref<1x32x128xf32, #tpu.memory_space<vmem>>
      %dma_wait3A_199 = tpu.memref_squeeze %dma_wait3A_198 : memref<1x32x128xf32, #tpu.memory_space<vmem>> -> memref<32x128xf32, #tpu.memory_space<vmem>>
      %dma_wait3A_200 = arith.constant 0 : i32
      %dma_wait3A_201 = tpu.memref_slice %arg7[%dma_wait3A_192, %dma_wait3A_193, %dma_wait3A_200] : memref<2x4x32xi32, #tpu.memory_space<vmem>> -> memref<1x1x32xi32, #tpu.memory_space<vmem>>
      %dma_wait3A_202 = tpu.memref_squeeze %dma_wait3A_201 : memref<1x1x32xi32, #tpu.memory_space<vmem>> -> memref<32xi32, #tpu.memory_space<vmem>>
      %dma_wait3A_203 = arith.constant 0 : i32
      %dma_wait3A_204 = arith.constant 0 : i32
      %dma_wait3A_205 = tpu.memref_slice %arg10[%dma_wait3A_203, %dma_wait3A_204] : memref<5008x128xf32, #tpu.memory_space<vmem_shared>> -> memref<5008x128xf32, #tpu.memory_space<vmem_shared>>
      %dma_wait3A_206 = tpu.memref_slice %arg12[%dma_wait3A_195] : memref<2x!tpu.dma_semaphore, #tpu.memory_space<semaphore_mem>> -> memref<1x!tpu.dma_semaphore, #tpu.memory_space<semaphore_mem>>
      %dma_wait3A_207 = tpu.memref_squeeze %dma_wait3A_206 : memref<1x!tpu.dma_semaphore, #tpu.memory_space<semaphore_mem>> -> memref<!tpu.dma_semaphore, #tpu.memory_space<semaphore_mem>>
      tpu.wait_indirect_dma semaphore(%dma_wait3A_207 : memref<!tpu.dma_semaphore, #tpu.memory_space<semaphore_mem>>) src(%dma_wait3A_205 : memref<5008x128xf32, #tpu.memory_space<vmem_shared>>) dst(%dma_wait3A_199 : memref<32x128xf32, #tpu.memory_space<vmem>>)
      %dma_start3A_208 = arith.constant 2 : i32
      %dma_start3A_209 = arith.constant 0 : i32
      %dma_start3A_210 = arith.constant 0 : i32
      %dma_start3A_211 = arith.constant 0 : i32
      %dma_start3A_212 = arith.constant 0 : i32
      %dma_start3A_213 = tpu.memref_slice %arg9[%dma_start3A_209, %dma_start3A_211, %dma_start3A_212] : memref<2x32x128xf32, #tpu.memory_space<vmem>> -> memref<1x32x128xf32, #tpu.memory_space<vmem>>
      %dma_start3A_214 = tpu.memref_squeeze %dma_start3A_213 : memref<1x32x128xf32, #tpu.memory_space<vmem>> -> memref<32x128xf32, #tpu.memory_space<vmem>>
      %dma_start3A_215 = arith.constant 0 : i32
      %dma_start3A_216 = tpu.memref_slice %arg7[%rem3A_159, %dma_start3A_208, %dma_start3A_215] : memref<2x4x32xi32, #tpu.memory_space<vmem>> -> memref<1x1x32xi32, #tpu.memory_space<vmem>>
      %dma_start3A_217 = tpu.memref_squeeze %dma_start3A_216 : memref<1x1x32xi32, #tpu.memory_space<vmem>> -> memref<32xi32, #tpu.memory_space<vmem>>
      %dma_start3A_218 = arith.constant 0 : i32
      %dma_start3A_219 = arith.constant 0 : i32
      %dma_start3A_220 = tpu.memref_slice %arg10[%dma_start3A_218, %dma_start3A_219] : memref<5008x128xf32, #tpu.memory_space<vmem_shared>> -> memref<5008x128xf32, #tpu.memory_space<vmem_shared>>
      %dma_start3A_221 = tpu.memref_slice %arg12[%dma_start3A_210] : memref<2x!tpu.dma_semaphore, #tpu.memory_space<semaphore_mem>> -> memref<1x!tpu.dma_semaphore, #tpu.memory_space<semaphore_mem>>
      %dma_start3A_222 = tpu.memref_squeeze %dma_start3A_221 : memref<1x!tpu.dma_semaphore, #tpu.memory_space<semaphore_mem>> -> memref<!tpu.dma_semaphore, #tpu.memory_space<semaphore_mem>>
      tpu.enqueue_indirect_dma source(%dma_start3A_220 : memref<5008x128xf32, #tpu.memory_space<vmem_shared>>) target(%dma_start3A_214 : memref<32x128xf32, #tpu.memory_space<vmem>>) offsets(%dma_start3A_217 : memref<32xi32, #tpu.memory_space<vmem>>) semaphore(%dma_start3A_222 : memref<!tpu.dma_semaphore, #tpu.memory_space<semaphore_mem>>)
      %run_scoped3A_223 = arith.constant 1 : i32
      %run_scoped3A_224 = arith.constant 1 : i32
      "tpu.region"() ({
        %run_scoped3A_285 = tpu.sem_alloc : memref<!tpu.dma_semaphore, #tpu.memory_space<semaphore_mem>>
        %dma_start3A_286 = arith.constant 0 : i32
        %dma_start3A_287 = arith.constant 0 : i32
        %dma_start3A_288 = tpu.memref_slice %arg9[%run_scoped3A_223, %dma_start3A_286, %dma_start3A_287] : memref<2x32x128xf32, #tpu.memory_space<vmem>> -> memref<1x32x128xf32, #tpu.memory_space<vmem>>
        %dma_start3A_289 = tpu.memref_squeeze %dma_start3A_288 : memref<1x32x128xf32, #tpu.memory_space<vmem>> -> memref<32x128xf32, #tpu.memory_space<vmem>>
        %dma_start3A_290 = arith.constant 0 : i32
        %dma_start3A_291 = tpu.memref_slice %arg8[%rem3A_159, %run_scoped3A_224, %dma_start3A_290] : memref<2x4x32xi32, #tpu.memory_space<vmem>> -> memref<1x1x32xi32, #tpu.memory_space<vmem>>
        %dma_start3A_292 = tpu.memref_squeeze %dma_start3A_291 : memref<1x1x32xi32, #tpu.memory_space<vmem>> -> memref<32xi32, #tpu.memory_space<vmem>>
        %dma_start3A_293 = arith.constant 0 : i32
        %dma_start3A_294 = arith.constant 0 : i32
        %dma_start3A_295 = tpu.memref_slice %arg11[%dma_start3A_293, %dma_start3A_294] : memref<10000x128xf32, #tpu.memory_space<vmem_shared>> -> memref<10000x128xf32, #tpu.memory_space<vmem_shared>>
        tpu.enqueue_indirect_dma source(%dma_start3A_289 : memref<32x128xf32, #tpu.memory_space<vmem>>) target(%dma_start3A_295 : memref<10000x128xf32, #tpu.memory_space<vmem_shared>>) offsets(%dma_start3A_292 : memref<32xi32, #tpu.memory_space<vmem>>) semaphore(%run_scoped3A_285 : memref<!tpu.dma_semaphore, #tpu.memory_space<semaphore_mem>>) {add = true}
        %dma_wait3A_296 = arith.constant 0 : i32
        %dma_wait3A_297 = arith.constant 0 : i32
        %dma_wait3A_298 = tpu.memref_slice %arg9[%run_scoped3A_223, %dma_wait3A_296, %dma_wait3A_297] : memref<2x32x128xf32, #tpu.memory_space<vmem>> -> memref<1x32x128xf32, #tpu.memory_space<vmem>>
        %dma_wait3A_299 = tpu.memref_squeeze %dma_wait3A_298 : memref<1x32x128xf32, #tpu.memory_space<vmem>> -> memref<32x128xf32, #tpu.memory_space<vmem>>
        %dma_wait3A_300 = arith.constant 0 : i32
        %dma_wait3A_301 = tpu.memref_slice %arg8[%rem3A_159, %run_scoped3A_224, %dma_wait3A_300] : memref<2x4x32xi32, #tpu.memory_space<vmem>> -> memref<1x1x32xi32, #tpu.memory_space<vmem>>
        %dma_wait3A_302 = tpu.memref_squeeze %dma_wait3A_301 : memref<1x1x32xi32, #tpu.memory_space<vmem>> -> memref<32xi32, #tpu.memory_space<vmem>>
        %dma_wait3A_303 = arith.constant 0 : i32
        %dma_wait3A_304 = arith.constant 0 : i32
        %dma_wait3A_305 = tpu.memref_slice %arg11[%dma_wait3A_303, %dma_wait3A_304] : memref<10000x128xf32, #tpu.memory_space<vmem_shared>> -> memref<10000x128xf32, #tpu.memory_space<vmem_shared>>
        tpu.wait_indirect_dma semaphore(%run_scoped3A_285 : memref<!tpu.dma_semaphore, #tpu.memory_space<semaphore_mem>>) src(%dma_wait3A_299 : memref<32x128xf32, #tpu.memory_space<vmem>>) dst(%dma_wait3A_305 : memref<10000x128xf32, #tpu.memory_space<vmem_shared>>)
        tpu.yield
      }) : () -> ()
      %dma_wait3A_225 = arith.constant 0 : i32
      %dma_wait3A_226 = arith.constant 0 : i32
      %dma_wait3A_227 = arith.constant 0 : i32
      %dma_wait3A_228 = arith.constant 0 : i32
      %dma_wait3A_229 = arith.constant 0 : i32
      %dma_wait3A_230 = arith.constant 0 : i32
      %dma_wait3A_231 = tpu.memref_slice %arg9[%dma_wait3A_227, %dma_wait3A_229, %dma_wait3A_230] : memref<2x32x128xf32, #tpu.memory_space<vmem>> -> memref<1x32x128xf32, #tpu.memory_space<vmem>>
      %dma_wait3A_232 = tpu.memref_squeeze %dma_wait3A_231 : memref<1x32x128xf32, #tpu.memory_space<vmem>> -> memref<32x128xf32, #tpu.memory_space<vmem>>
      %dma_wait3A_233 = arith.constant 0 : i32
      %dma_wait3A_234 = tpu.memref_slice %arg7[%dma_wait3A_225, %dma_wait3A_226, %dma_wait3A_233] : memref<2x4x32xi32, #tpu.memory_space<vmem>> -> memref<1x1x32xi32, #tpu.memory_space<vmem>>
      %dma_wait3A_235 = tpu.memref_squeeze %dma_wait3A_234 : memref<1x1x32xi32, #tpu.memory_space<vmem>> -> memref<32xi32, #tpu.memory_space<vmem>>
      %dma_wait3A_236 = arith.constant 0 : i32
      %dma_wait3A_237 = arith.constant 0 : i32
      %dma_wait3A_238 = tpu.memref_slice %arg10[%dma_wait3A_236, %dma_wait3A_237] : memref<5008x128xf32, #tpu.memory_space<vmem_shared>> -> memref<5008x128xf32, #tpu.memory_space<vmem_shared>>
      %dma_wait3A_239 = tpu.memref_slice %arg12[%dma_wait3A_228] : memref<2x!tpu.dma_semaphore, #tpu.memory_space<semaphore_mem>> -> memref<1x!tpu.dma_semaphore, #tpu.memory_space<semaphore_mem>>
      %dma_wait3A_240 = tpu.memref_squeeze %dma_wait3A_239 : memref<1x!tpu.dma_semaphore, #tpu.memory_space<semaphore_mem>> -> memref<!tpu.dma_semaphore, #tpu.memory_space<semaphore_mem>>
      tpu.wait_indirect_dma semaphore(%dma_wait3A_240 : memref<!tpu.dma_semaphore, #tpu.memory_space<semaphore_mem>>) src(%dma_wait3A_238 : memref<5008x128xf32, #tpu.memory_space<vmem_shared>>) dst(%dma_wait3A_232 : memref<32x128xf32, #tpu.memory_space<vmem>>)
      %dma_start3A_241 = arith.constant 3 : i32
      %dma_start3A_242 = arith.constant 1 : i32
      %dma_start3A_243 = arith.constant 1 : i32
      %dma_start3A_244 = arith.constant 0 : i32
      %dma_start3A_245 = arith.constant 0 : i32
      %dma_start3A_246 = tpu.memref_slice %arg9[%dma_start3A_242, %dma_start3A_244, %dma_start3A_245] : memref<2x32x128xf32, #tpu.memory_space<vmem>> -> memref<1x32x128xf32, #tpu.memory_space<vmem>>
      %dma_start3A_247 = tpu.memref_squeeze %dma_start3A_246 : memref<1x32x128xf32, #tpu.memory_space<vmem>> -> memref<32x128xf32, #tpu.memory_space<vmem>>
      %dma_start3A_248 = arith.constant 0 : i32
      %dma_start3A_249 = tpu.memref_slice %arg7[%rem3A_159, %dma_start3A_241, %dma_start3A_248] : memref<2x4x32xi32, #tpu.memory_space<vmem>> -> memref<1x1x32xi32, #tpu.memory_space<vmem>>
      %dma_start3A_250 = tpu.memref_squeeze %dma_start3A_249 : memref<1x1x32xi32, #tpu.memory_space<vmem>> -> memref<32xi32, #tpu.memory_space<vmem>>
      %dma_start3A_251 = arith.constant 0 : i32
      %dma_start3A_252 = arith.constant 0 : i32
      %dma_start3A_253 = tpu.memref_slice %arg10[%dma_start3A_251, %dma_start3A_252] : memref<5008x128xf32, #tpu.memory_space<vmem_shared>> -> memref<5008x128xf32, #tpu.memory_space<vmem_shared>>
      %dma_start3A_254 = tpu.memref_slice %arg12[%dma_start3A_243] : memref<2x!tpu.dma_semaphore, #tpu.memory_space<semaphore_mem>> -> memref<1x!tpu.dma_semaphore, #tpu.memory_space<semaphore_mem>>
      %dma_start3A_255 = tpu.memref_squeeze %dma_start3A_254 : memref<1x!tpu.dma_semaphore, #tpu.memory_space<semaphore_mem>> -> memref<!tpu.dma_semaphore, #tpu.memory_space<semaphore_mem>>
      tpu.enqueue_indirect_dma source(%dma_start3A_253 : memref<5008x128xf32, #tpu.memory_space<vmem_shared>>) target(%dma_start3A_247 : memref<32x128xf32, #tpu.memory_space<vmem>>) offsets(%dma_start3A_250 : memref<32xi32, #tpu.memory_space<vmem>>) semaphore(%dma_start3A_255 : memref<!tpu.dma_semaphore, #tpu.memory_space<semaphore_mem>>)
      %run_scoped3A_256 = arith.constant 0 : i32
      %run_scoped3A_257 = arith.constant 2 : i32
      "tpu.region"() ({
        %run_scoped3A_285 = tpu.sem_alloc : memref<!tpu.dma_semaphore, #tpu.memory_space<semaphore_mem>>
        %dma_start3A_286 = arith.constant 0 : i32
        %dma_start3A_287 = arith.constant 0 : i32
        %dma_start3A_288 = tpu.memref_slice %arg9[%run_scoped3A_256, %dma_start3A_286, %dma_start3A_287] : memref<2x32x128xf32, #tpu.memory_space<vmem>> -> memref<1x32x128xf32, #tpu.memory_space<vmem>>
        %dma_start3A_289 = tpu.memref_squeeze %dma_start3A_288 : memref<1x32x128xf32, #tpu.memory_space<vmem>> -> memref<32x128xf32, #tpu.memory_space<vmem>>
        %dma_start3A_290 = arith.constant 0 : i32
        %dma_start3A_291 = tpu.memref_slice %arg8[%rem3A_159, %run_scoped3A_257, %dma_start3A_290] : memref<2x4x32xi32, #tpu.memory_space<vmem>> -> memref<1x1x32xi32, #tpu.memory_space<vmem>>
        %dma_start3A_292 = tpu.memref_squeeze %dma_start3A_291 : memref<1x1x32xi32, #tpu.memory_space<vmem>> -> memref<32xi32, #tpu.memory_space<vmem>>
        %dma_start3A_293 = arith.constant 0 : i32
        %dma_start3A_294 = arith.constant 0 : i32
        %dma_start3A_295 = tpu.memref_slice %arg11[%dma_start3A_293, %dma_start3A_294] : memref<10000x128xf32, #tpu.memory_space<vmem_shared>> -> memref<10000x128xf32, #tpu.memory_space<vmem_shared>>
        tpu.enqueue_indirect_dma source(%dma_start3A_289 : memref<32x128xf32, #tpu.memory_space<vmem>>) target(%dma_start3A_295 : memref<10000x128xf32, #tpu.memory_space<vmem_shared>>) offsets(%dma_start3A_292 : memref<32xi32, #tpu.memory_space<vmem>>) semaphore(%run_scoped3A_285 : memref<!tpu.dma_semaphore, #tpu.memory_space<semaphore_mem>>) {add = true}
        %dma_wait3A_296 = arith.constant 0 : i32
        %dma_wait3A_297 = arith.constant 0 : i32
        %dma_wait3A_298 = tpu.memref_slice %arg9[%run_scoped3A_256, %dma_wait3A_296, %dma_wait3A_297] : memref<2x32x128xf32, #tpu.memory_space<vmem>> -> memref<1x32x128xf32, #tpu.memory_space<vmem>>
        %dma_wait3A_299 = tpu.memref_squeeze %dma_wait3A_298 : memref<1x32x128xf32, #tpu.memory_space<vmem>> -> memref<32x128xf32, #tpu.memory_space<vmem>>
        %dma_wait3A_300 = arith.constant 0 : i32
        %dma_wait3A_301 = tpu.memref_slice %arg8[%rem3A_159, %run_scoped3A_257, %dma_wait3A_300] : memref<2x4x32xi32, #tpu.memory_space<vmem>> -> memref<1x1x32xi32, #tpu.memory_space<vmem>>
        %dma_wait3A_302 = tpu.memref_squeeze %dma_wait3A_301 : memref<1x1x32xi32, #tpu.memory_space<vmem>> -> memref<32xi32, #tpu.memory_space<vmem>>
        %dma_wait3A_303 = arith.constant 0 : i32
        %dma_wait3A_304 = arith.constant 0 : i32
        %dma_wait3A_305 = tpu.memref_slice %arg11[%dma_wait3A_303, %dma_wait3A_304] : memref<10000x128xf32, #tpu.memory_space<vmem_shared>> -> memref<10000x128xf32, #tpu.memory_space<vmem_shared>>
        tpu.wait_indirect_dma semaphore(%run_scoped3A_285 : memref<!tpu.dma_semaphore, #tpu.memory_space<semaphore_mem>>) src(%dma_wait3A_299 : memref<32x128xf32, #tpu.memory_space<vmem>>) dst(%dma_wait3A_305 : memref<10000x128xf32, #tpu.memory_space<vmem_shared>>)
        tpu.yield
      }) : () -> ()
      %dma_wait3A_258 = arith.constant 0 : i32
      %dma_wait3A_259 = arith.constant 0 : i32
      %dma_wait3A_260 = arith.constant 1 : i32
      %dma_wait3A_261 = arith.constant 1 : i32
      %dma_wait3A_262 = arith.constant 0 : i32
      %dma_wait3A_263 = arith.constant 0 : i32
      %dma_wait3A_264 = tpu.memref_slice %arg9[%dma_wait3A_260, %dma_wait3A_262, %dma_wait3A_263] : memref<2x32x128xf32, #tpu.memory_space<vmem>> -> memref<1x32x128xf32, #tpu.memory_space<vmem>>
      %dma_wait3A_265 = tpu.memref_squeeze %dma_wait3A_264 : memref<1x32x128xf32, #tpu.memory_space<vmem>> -> memref<32x128xf32, #tpu.memory_space<vmem>>
      %dma_wait3A_266 = arith.constant 0 : i32
      %dma_wait3A_267 = tpu.memref_slice %arg7[%dma_wait3A_258, %dma_wait3A_259, %dma_wait3A_266] : memref<2x4x32xi32, #tpu.memory_space<vmem>> -> memref<1x1x32xi32, #tpu.memory_space<vmem>>
      %dma_wait3A_268 = tpu.memref_squeeze %dma_wait3A_267 : memref<1x1x32xi32, #tpu.memory_space<vmem>> -> memref<32xi32, #tpu.memory_space<vmem>>
      %dma_wait3A_269 = arith.constant 0 : i32
      %dma_wait3A_270 = arith.constant 0 : i32
      %dma_wait3A_271 = tpu.memref_slice %arg10[%dma_wait3A_269, %dma_wait3A_270] : memref<5008x128xf32, #tpu.memory_space<vmem_shared>> -> memref<5008x128xf32, #tpu.memory_space<vmem_shared>>
      %dma_wait3A_272 = tpu.memref_slice %arg12[%dma_wait3A_261] : memref<2x!tpu.dma_semaphore, #tpu.memory_space<semaphore_mem>> -> memref<1x!tpu.dma_semaphore, #tpu.memory_space<semaphore_mem>>
      %dma_wait3A_273 = tpu.memref_squeeze %dma_wait3A_272 : memref<1x!tpu.dma_semaphore, #tpu.memory_space<semaphore_mem>> -> memref<!tpu.dma_semaphore, #tpu.memory_space<semaphore_mem>>
      tpu.wait_indirect_dma semaphore(%dma_wait3A_273 : memref<!tpu.dma_semaphore, #tpu.memory_space<semaphore_mem>>) src(%dma_wait3A_271 : memref<5008x128xf32, #tpu.memory_space<vmem_shared>>) dst(%dma_wait3A_265 : memref<32x128xf32, #tpu.memory_space<vmem>>)
      %lt3A = arith.constant 159 : i32
      %lt3A_274 = arith.cmpi slt, %scan3A_158, %lt3A : i32
      %convert_element_type3A_275 = arith.extui %lt3A_274 : i1 to i32
      %cond3A_276 = arith.constant 0 : i32
      %cond3A_277 = arith.cmpi ne, %convert_element_type3A_275, %cond3A_276 : i32
      scf.if %cond3A_277 {
        %sub3A = arith.constant 1 : i32
        %sub3A_285 = arith.subi %sub3A, %rem3A_159 : i32
        %dma_wait3A_286 = arith.constant 0 : i32
        %dma_wait3A_287 = arith.constant 0 : i32
        %dma_wait3A_288 = arith.constant 0 : i32
        %dma_wait3A_289 = tpu.memref_slice %arg7[%dma_wait3A_286, %dma_wait3A_287, %dma_wait3A_288] : memref<2x4x32xi32, #tpu.memory_space<vmem>> -> memref<1x4x32xi32, #tpu.memory_space<vmem>>
        %dma_wait3A_290 = tpu.memref_squeeze %dma_wait3A_289 : memref<1x4x32xi32, #tpu.memory_space<vmem>> -> memref<4x32xi32, #tpu.memory_space<vmem>>
        %dma_wait3A_291 = arith.constant 0 : i32
        %dma_wait3A_292 = arith.constant 0 : i32
        %dma_wait3A_293 = tpu.memref_slice %arg3[%arg0, %arg1, %dma_wait3A_291, %dma_wait3A_292] : memref<2x16x640x32xi32, #tpu.memory_space<hbm>> -> memref<1x1x4x32xi32, #tpu.memory_space<hbm>>
        %dma_wait3A_294 = tpu.memref_squeeze %dma_wait3A_293 : memref<1x1x4x32xi32, #tpu.memory_space<hbm>> -> memref<4x32xi32, #tpu.memory_space<hbm>>
        %dma_wait3A_295 = tpu.memref_slice %arg13[%sub3A_285] : memref<2x!tpu.dma_semaphore, #tpu.memory_space<semaphore_mem>> -> memref<1x!tpu.dma_semaphore, #tpu.memory_space<semaphore_mem>>
        %dma_wait3A_296 = tpu.memref_squeeze %dma_wait3A_295 : memref<1x!tpu.dma_semaphore, #tpu.memory_space<semaphore_mem>> -> memref<!tpu.dma_semaphore, #tpu.memory_space<semaphore_mem>>
        %dma_wait3A_297 = arith.constant 0 : i32
        %dma_wait3A_298 = arith.constant 0 : i32
        %dma_wait3A_299 = tpu.memref_slice %arg7[%dma_wait3A_286, %dma_wait3A_297, %dma_wait3A_298] : memref<2x4x32xi32, #tpu.memory_space<vmem>> -> memref<1x4x32xi32, #tpu.memory_space<vmem>>
        %dma_wait3A_300 = tpu.memref_squeeze %dma_wait3A_299 : memref<1x4x32xi32, #tpu.memory_space<vmem>> -> memref<4x32xi32, #tpu.memory_space<vmem>>
        %dma_wait3A_301 = arith.constant 0 : i32
        %dma_wait3A_302 = arith.constant 0 : i32
        %dma_wait3A_303 = tpu.memref_slice %arg3[%arg0, %arg1, %dma_wait3A_301, %dma_wait3A_302] : memref<2x16x640x32xi32, #tpu.memory_space<hbm>> -> memref<1x1x4x32xi32, #tpu.memory_space<hbm>>
        %dma_wait3A_304 = tpu.memref_squeeze %dma_wait3A_303 : memref<1x1x4x32xi32, #tpu.memory_space<hbm>> -> memref<4x32xi32, #tpu.memory_space<hbm>>
        tpu.wait_dma2 semaphore(%dma_wait3A_296 : memref<!tpu.dma_semaphore, #tpu.memory_space<semaphore_mem>>) src(%dma_wait3A_304 : memref<4x32xi32, #tpu.memory_space<hbm>>) dst(%dma_wait3A_300 : memref<4x32xi32, #tpu.memory_space<vmem>>)
        %dma_wait3A_305 = arith.constant 0 : i32
        %dma_wait3A_306 = arith.constant 0 : i32
        %dma_wait3A_307 = arith.constant 0 : i32
        %dma_wait3A_308 = tpu.memref_slice %arg8[%dma_wait3A_305, %dma_wait3A_306, %dma_wait3A_307] : memref<2x4x32xi32, #tpu.memory_space<vmem>> -> memref<1x4x32xi32, #tpu.memory_space<vmem>>
        %dma_wait3A_309 = tpu.memref_squeeze %dma_wait3A_308 : memref<1x4x32xi32, #tpu.memory_space<vmem>> -> memref<4x32xi32, #tpu.memory_space<vmem>>
        %dma_wait3A_310 = arith.constant 0 : i32
        %dma_wait3A_311 = arith.constant 0 : i32
        %dma_wait3A_312 = tpu.memref_slice %arg4[%arg1, %dma_wait3A_310, %dma_wait3A_311] : memref<16x640x32xi32, #tpu.memory_space<hbm>> -> memref<1x4x32xi32, #tpu.memory_space<hbm>>
        %dma_wait3A_313 = tpu.memref_squeeze %dma_wait3A_312 : memref<1x4x32xi32, #tpu.memory_space<hbm>> -> memref<4x32xi32, #tpu.memory_space<hbm>>
        %dma_wait3A_314 = tpu.memref_slice %arg13[%sub3A_285] : memref<2x!tpu.dma_semaphore, #tpu.memory_space<semaphore_mem>> -> memref<1x!tpu.dma_semaphore, #tpu.memory_space<semaphore_mem>>
        %dma_wait3A_315 = tpu.memref_squeeze %dma_wait3A_314 : memref<1x!tpu.dma_semaphore, #tpu.memory_space<semaphore_mem>> -> memref<!tpu.dma_semaphore, #tpu.memory_space<semaphore_mem>>
        %dma_wait3A_316 = arith.constant 0 : i32
        %dma_wait3A_317 = arith.constant 0 : i32
        %dma_wait3A_318 = tpu.memref_slice %arg8[%dma_wait3A_305, %dma_wait3A_316, %dma_wait3A_317] : memref<2x4x32xi32, #tpu.memory_space<vmem>> -> memref<1x4x32xi32, #tpu.memory_space<vmem>>
        %dma_wait3A_319 = tpu.memref_squeeze %dma_wait3A_318 : memref<1x4x32xi32, #tpu.memory_space<vmem>> -> memref<4x32xi32, #tpu.memory_space<vmem>>
        %dma_wait3A_320 = arith.constant 0 : i32
        %dma_wait3A_321 = arith.constant 0 : i32
        %dma_wait3A_322 = tpu.memref_slice %arg4[%arg1, %dma_wait3A_320, %dma_wait3A_321] : memref<16x640x32xi32, #tpu.memory_space<hbm>> -> memref<1x4x32xi32, #tpu.memory_space<hbm>>
        %dma_wait3A_323 = tpu.memref_squeeze %dma_wait3A_322 : memref<1x4x32xi32, #tpu.memory_space<hbm>> -> memref<4x32xi32, #tpu.memory_space<hbm>>
        tpu.wait_dma2 semaphore(%dma_wait3A_315 : memref<!tpu.dma_semaphore, #tpu.memory_space<semaphore_mem>>) src(%dma_wait3A_323 : memref<4x32xi32, #tpu.memory_space<hbm>>) dst(%dma_wait3A_319 : memref<4x32xi32, #tpu.memory_space<vmem>>)
        %sub3A_324 = arith.constant 1 : i32
        %sub3A_325 = arith.subi %sub3A_324, %rem3A_159 : i32
        %dma_start3A_326 = arith.constant 0 : i32
        %dma_start3A_327 = arith.constant 0 : i32
        %dma_start3A_328 = arith.constant 0 : i32
        %dma_start3A_329 = arith.constant 0 : i32
        %dma_start3A_330 = arith.constant 0 : i32
        %dma_start3A_331 = tpu.memref_slice %arg9[%dma_start3A_327, %dma_start3A_329, %dma_start3A_330] : memref<2x32x128xf32, #tpu.memory_space<vmem>> -> memref<1x32x128xf32, #tpu.memory_space<vmem>>
        %dma_start3A_332 = tpu.memref_squeeze %dma_start3A_331 : memref<1x32x128xf32, #tpu.memory_space<vmem>> -> memref<32x128xf32, #tpu.memory_space<vmem>>
        %dma_start3A_333 = arith.constant 0 : i32
        %dma_start3A_334 = tpu.memref_slice %arg7[%sub3A_325, %dma_start3A_326, %dma_start3A_333] : memref<2x4x32xi32, #tpu.memory_space<vmem>> -> memref<1x1x32xi32, #tpu.memory_space<vmem>>
        %dma_start3A_335 = tpu.memref_squeeze %dma_start3A_334 : memref<1x1x32xi32, #tpu.memory_space<vmem>> -> memref<32xi32, #tpu.memory_space<vmem>>
        %dma_start3A_336 = arith.constant 0 : i32
        %dma_start3A_337 = arith.constant 0 : i32
        %dma_start3A_338 = tpu.memref_slice %arg10[%dma_start3A_336, %dma_start3A_337] : memref<5008x128xf32, #tpu.memory_space<vmem_shared>> -> memref<5008x128xf32, #tpu.memory_space<vmem_shared>>
        %dma_start3A_339 = tpu.memref_slice %arg12[%dma_start3A_328] : memref<2x!tpu.dma_semaphore, #tpu.memory_space<semaphore_mem>> -> memref<1x!tpu.dma_semaphore, #tpu.memory_space<semaphore_mem>>
        %dma_start3A_340 = tpu.memref_squeeze %dma_start3A_339 : memref<1x!tpu.dma_semaphore, #tpu.memory_space<semaphore_mem>> -> memref<!tpu.dma_semaphore, #tpu.memory_space<semaphore_mem>>
        tpu.enqueue_indirect_dma source(%dma_start3A_338 : memref<5008x128xf32, #tpu.memory_space<vmem_shared>>) target(%dma_start3A_332 : memref<32x128xf32, #tpu.memory_space<vmem>>) offsets(%dma_start3A_335 : memref<32xi32, #tpu.memory_space<vmem>>) semaphore(%dma_start3A_340 : memref<!tpu.dma_semaphore, #tpu.memory_space<semaphore_mem>>)
      } else {
      }
      %run_scoped3A_278 = arith.constant 1 : i32
      %run_scoped3A_279 = arith.constant 3 : i32
      "tpu.region"() ({
        %run_scoped3A_285 = tpu.sem_alloc : memref<!tpu.dma_semaphore, #tpu.memory_space<semaphore_mem>>
        %dma_start3A_286 = arith.constant 0 : i32
        %dma_start3A_287 = arith.constant 0 : i32
        %dma_start3A_288 = tpu.memref_slice %arg9[%run_scoped3A_278, %dma_start3A_286, %dma_start3A_287] : memref<2x32x128xf32, #tpu.memory_space<vmem>> -> memref<1x32x128xf32, #tpu.memory_space<vmem>>
        %dma_start3A_289 = tpu.memref_squeeze %dma_start3A_288 : memref<1x32x128xf32, #tpu.memory_space<vmem>> -> memref<32x128xf32, #tpu.memory_space<vmem>>
        %dma_start3A_290 = arith.constant 0 : i32
        %dma_start3A_291 = tpu.memref_slice %arg8[%rem3A_159, %run_scoped3A_279, %dma_start3A_290] : memref<2x4x32xi32, #tpu.memory_space<vmem>> -> memref<1x1x32xi32, #tpu.memory_space<vmem>>
        %dma_start3A_292 = tpu.memref_squeeze %dma_start3A_291 : memref<1x1x32xi32, #tpu.memory_space<vmem>> -> memref<32xi32, #tpu.memory_space<vmem>>
        %dma_start3A_293 = arith.constant 0 : i32
        %dma_start3A_294 = arith.constant 0 : i32
        %dma_start3A_295 = tpu.memref_slice %arg11[%dma_start3A_293, %dma_start3A_294] : memref<10000x128xf32, #tpu.memory_space<vmem_shared>> -> memref<10000x128xf32, #tpu.memory_space<vmem_shared>>
        tpu.enqueue_indirect_dma source(%dma_start3A_289 : memref<32x128xf32, #tpu.memory_space<vmem>>) target(%dma_start3A_295 : memref<10000x128xf32, #tpu.memory_space<vmem_shared>>) offsets(%dma_start3A_292 : memref<32xi32, #tpu.memory_space<vmem>>) semaphore(%run_scoped3A_285 : memref<!tpu.dma_semaphore, #tpu.memory_space<semaphore_mem>>) {add = true}
        %dma_wait3A_296 = arith.constant 0 : i32
        %dma_wait3A_297 = arith.constant 0 : i32
        %dma_wait3A_298 = tpu.memref_slice %arg9[%run_scoped3A_278, %dma_wait3A_296, %dma_wait3A_297] : memref<2x32x128xf32, #tpu.memory_space<vmem>> -> memref<1x32x128xf32, #tpu.memory_space<vmem>>
        %dma_wait3A_299 = tpu.memref_squeeze %dma_wait3A_298 : memref<1x32x128xf32, #tpu.memory_space<vmem>> -> memref<32x128xf32, #tpu.memory_space<vmem>>
        %dma_wait3A_300 = arith.constant 0 : i32
        %dma_wait3A_301 = tpu.memref_slice %arg8[%rem3A_159, %run_scoped3A_279, %dma_wait3A_300] : memref<2x4x32xi32, #tpu.memory_space<vmem>> -> memref<1x1x32xi32, #tpu.memory_space<vmem>>
        %dma_wait3A_302 = tpu.memref_squeeze %dma_wait3A_301 : memref<1x1x32xi32, #tpu.memory_space<vmem>> -> memref<32xi32, #tpu.memory_space<vmem>>
        %dma_wait3A_303 = arith.constant 0 : i32
        %dma_wait3A_304 = arith.constant 0 : i32
        %dma_wait3A_305 = tpu.memref_slice %arg11[%dma_wait3A_303, %dma_wait3A_304] : memref<10000x128xf32, #tpu.memory_space<vmem_shared>> -> memref<10000x128xf32, #tpu.memory_space<vmem_shared>>
        tpu.wait_indirect_dma semaphore(%run_scoped3A_285 : memref<!tpu.dma_semaphore, #tpu.memory_space<semaphore_mem>>) src(%dma_wait3A_299 : memref<32x128xf32, #tpu.memory_space<vmem>>) dst(%dma_wait3A_305 : memref<10000x128xf32, #tpu.memory_space<vmem_shared>>)
        tpu.yield
      }) : () -> ()
      %lt3A_280 = arith.constant 158 : i32
      %lt3A_281 = arith.cmpi slt, %scan3A_158, %lt3A_280 : i32
      %convert_element_type3A_282 = arith.extui %lt3A_281 : i1 to i32
      %cond3A_283 = arith.constant 0 : i32
      %cond3A_284 = arith.cmpi ne, %convert_element_type3A_282, %cond3A_283 : i32
      scf.if %cond3A_284 {
        %add3A_285 = arith.constant 2 : i32
        %add3A_286 = arith.addi %scan3A_158, %add3A_285 : i32
        %mul3A_287 = arith.constant 4 : i32
        %mul3A_288 = arith.muli %add3A_286, %mul3A_287 : i32
        %dma_start3A_289 = arith.constant 0 : i32
        %dma_start3A_290 = arith.constant 0 : i32
        %dma_start3A_291 = tpu.memref_slice %arg7[%rem3A_159, %dma_start3A_289, %dma_start3A_290] : memref<2x4x32xi32, #tpu.memory_space<vmem>> -> memref<1x4x32xi32, #tpu.memory_space<vmem>>
        %dma_start3A_292 = tpu.memref_squeeze %dma_start3A_291 : memref<1x4x32xi32, #tpu.memory_space<vmem>> -> memref<4x32xi32, #tpu.memory_space<vmem>>
        %dma_start3A_293 = arith.constant 0 : i32
        %dma_start3A_294 = tpu.memref_slice %arg3[%arg0, %arg1, %mul3A_288, %dma_start3A_293] : memref<2x16x640x32xi32, #tpu.memory_space<hbm>> -> memref<1x1x4x32xi32, #tpu.memory_space<hbm>>
        %dma_start3A_295 = tpu.memref_squeeze %dma_start3A_294 : memref<1x1x4x32xi32, #tpu.memory_space<hbm>> -> memref<4x32xi32, #tpu.memory_space<hbm>>
        %dma_start3A_296 = tpu.memref_slice %arg13[%rem3A_159] : memref<2x!tpu.dma_semaphore, #tpu.memory_space<semaphore_mem>> -> memref<1x!tpu.dma_semaphore, #tpu.memory_space<semaphore_mem>>
        %dma_start3A_297 = tpu.memref_squeeze %dma_start3A_296 : memref<1x!tpu.dma_semaphore, #tpu.memory_space<semaphore_mem>> -> memref<!tpu.dma_semaphore, #tpu.memory_space<semaphore_mem>>
        %dma_start3A_298 = arith.constant 0 : i32
        %dma_start3A_299 = arith.constant 0 : i32
        %dma_start3A_300 = tpu.memref_slice %arg7[%rem3A_159, %dma_start3A_298, %dma_start3A_299] : memref<2x4x32xi32, #tpu.memory_space<vmem>> -> memref<1x4x32xi32, #tpu.memory_space<vmem>>
        %dma_start3A_301 = tpu.memref_squeeze %dma_start3A_300 : memref<1x4x32xi32, #tpu.memory_space<vmem>> -> memref<4x32xi32, #tpu.memory_space<vmem>>
        %dma_start3A_302 = arith.constant 0 : i32
        %dma_start3A_303 = tpu.memref_slice %arg3[%arg0, %arg1, %mul3A_288, %dma_start3A_302] : memref<2x16x640x32xi32, #tpu.memory_space<hbm>> -> memref<1x1x4x32xi32, #tpu.memory_space<hbm>>
        %dma_start3A_304 = tpu.memref_squeeze %dma_start3A_303 : memref<1x1x4x32xi32, #tpu.memory_space<hbm>> -> memref<4x32xi32, #tpu.memory_space<hbm>>
        tpu.enqueue_dma source(%dma_start3A_304 : memref<4x32xi32, #tpu.memory_space<hbm>>) target(%dma_start3A_301 : memref<4x32xi32, #tpu.memory_space<vmem>>) target_semaphore(%dma_start3A_297 : memref<!tpu.dma_semaphore, #tpu.memory_space<semaphore_mem>>)
        %mul3A_305 = arith.constant 4 : i32
        %mul3A_306 = arith.muli %add3A_286, %mul3A_305 : i32
        %dma_start3A_307 = arith.constant 0 : i32
        %dma_start3A_308 = arith.constant 0 : i32
        %dma_start3A_309 = tpu.memref_slice %arg8[%rem3A_159, %dma_start3A_307, %dma_start3A_308] : memref<2x4x32xi32, #tpu.memory_space<vmem>> -> memref<1x4x32xi32, #tpu.memory_space<vmem>>
        %dma_start3A_310 = tpu.memref_squeeze %dma_start3A_309 : memref<1x4x32xi32, #tpu.memory_space<vmem>> -> memref<4x32xi32, #tpu.memory_space<vmem>>
        %dma_start3A_311 = arith.constant 0 : i32
        %dma_start3A_312 = tpu.memref_slice %arg4[%arg1, %mul3A_306, %dma_start3A_311] : memref<16x640x32xi32, #tpu.memory_space<hbm>> -> memref<1x4x32xi32, #tpu.memory_space<hbm>>
        %dma_start3A_313 = tpu.memref_squeeze %dma_start3A_312 : memref<1x4x32xi32, #tpu.memory_space<hbm>> -> memref<4x32xi32, #tpu.memory_space<hbm>>
        %dma_start3A_314 = tpu.memref_slice %arg13[%rem3A_159] : memref<2x!tpu.dma_semaphore, #tpu.memory_space<semaphore_mem>> -> memref<1x!tpu.dma_semaphore, #tpu.memory_space<semaphore_mem>>
        %dma_start3A_315 = tpu.memref_squeeze %dma_start3A_314 : memref<1x!tpu.dma_semaphore, #tpu.memory_space<semaphore_mem>> -> memref<!tpu.dma_semaphore, #tpu.memory_space<semaphore_mem>>
        %dma_start3A_316 = arith.constant 0 : i32
        %dma_start3A_317 = arith.constant 0 : i32
        %dma_start3A_318 = tpu.memref_slice %arg8[%rem3A_159, %dma_start3A_316, %dma_start3A_317] : memref<2x4x32xi32, #tpu.memory_space<vmem>> -> memref<1x4x32xi32, #tpu.memory_space<vmem>>
        %dma_start3A_319 = tpu.memref_squeeze %dma_start3A_318 : memref<1x4x32xi32, #tpu.memory_space<vmem>> -> memref<4x32xi32, #tpu.memory_space<vmem>>
        %dma_start3A_320 = arith.constant 0 : i32
        %dma_start3A_321 = tpu.memref_slice %arg4[%arg1, %mul3A_306, %dma_start3A_320] : memref<16x640x32xi32, #tpu.memory_space<hbm>> -> memref<1x4x32xi32, #tpu.memory_space<hbm>>
        %dma_start3A_322 = tpu.memref_squeeze %dma_start3A_321 : memref<1x4x32xi32, #tpu.memory_space<hbm>> -> memref<4x32xi32, #tpu.memory_space<hbm>>
        tpu.enqueue_dma source(%dma_start3A_322 : memref<4x32xi32, #tpu.memory_space<hbm>>) target(%dma_start3A_319 : memref<4x32xi32, #tpu.memory_space<vmem>>) target_semaphore(%dma_start3A_315 : memref<!tpu.dma_semaphore, #tpu.memory_space<semaphore_mem>>)
      } else {
      }
    }
    %scan3A_147 = arith.constant 160 : i32
    %barrier3A_148 = arith.constant 0 : index
    tpu.barrier barrier_id(%barrier3A_148)
    %mul3A_149 = arith.constant 624 : i32
    %mul3A_150 = arith.muli %arg1, %mul3A_149 : i32
    %mul3A_151 = arith.constant 624 : i32
    %mul3A_152 = arith.muli %arg1, %mul3A_151 : i32
    "tpu.region"() ({
      %run_scoped3A = tpu.sem_alloc : memref<!tpu.dma_semaphore, #tpu.memory_space<semaphore_mem>>
      %dma_start3A_158 = arith.constant 0 : i32
      %dma_start3A_159 = tpu.memref_slice %arg6[%arg0, %mul3A_152, %dma_start3A_158] : memref<2x10000x128xf32, #tpu.memory_space<hbm>> -> memref<1x624x128xf32, #tpu.memory_space<hbm>>
      %dma_start3A_160 = tpu.memref_squeeze %dma_start3A_159 : memref<1x624x128xf32, #tpu.memory_space<hbm>> -> memref<624x128xf32, #tpu.memory_space<hbm>>
      %dma_start3A_161 = arith.constant 0 : i32
      %dma_start3A_162 = tpu.memref_slice %arg11[%mul3A_150, %dma_start3A_161] : memref<10000x128xf32, #tpu.memory_space<vmem_shared>> -> memref<624x128xf32, #tpu.memory_space<vmem_shared>>
      tpu.enqueue_dma source(%dma_start3A_162 : memref<624x128xf32, #tpu.memory_space<vmem_shared>>) target(%dma_start3A_160 : memref<624x128xf32, #tpu.memory_space<hbm>>) target_semaphore(%run_scoped3A : memref<!tpu.dma_semaphore, #tpu.memory_space<semaphore_mem>>)
      %dma_wait3A_163 = arith.constant 0 : i32
      %dma_wait3A_164 = tpu.memref_slice %arg6[%arg0, %mul3A_152, %dma_wait3A_163] : memref<2x10000x128xf32, #tpu.memory_space<hbm>> -> memref<1x624x128xf32, #tpu.memory_space<hbm>>
      %dma_wait3A_165 = tpu.memref_squeeze %dma_wait3A_164 : memref<1x624x128xf32, #tpu.memory_space<hbm>> -> memref<624x128xf32, #tpu.memory_space<hbm>>
      %dma_wait3A_166 = arith.constant 0 : i32
      %dma_wait3A_167 = tpu.memref_slice %arg11[%mul3A_150, %dma_wait3A_166] : memref<10000x128xf32, #tpu.memory_space<vmem_shared>> -> memref<624x128xf32, #tpu.memory_space<vmem_shared>>
      tpu.wait_dma2 semaphore(%run_scoped3A : memref<!tpu.dma_semaphore, #tpu.memory_space<semaphore_mem>>) src(%dma_wait3A_167 : memref<624x128xf32, #tpu.memory_space<vmem_shared>>) dst(%dma_wait3A_165 : memref<624x128xf32, #tpu.memory_space<hbm>>)
      tpu.yield
    }) : () -> ()
    %eq3A_153 = arith.constant 0 : i32
    %eq3A_154 = arith.cmpi eq, %arg1, %eq3A_153 : i32
    %convert_element_type3A_155 = arith.extui %eq3A_154 : i1 to i32
    %cond3A_156 = arith.constant 0 : i32
    %cond3A_157 = arith.cmpi ne, %convert_element_type3A_155, %cond3A_156 : i32
    scf.if %cond3A_157 {
      "tpu.region"() ({
        %run_scoped3A = tpu.sem_alloc : memref<!tpu.dma_semaphore, #tpu.memory_space<semaphore_mem>>
        %dma_start3A_158 = arith.constant 9984 : i32
        %dma_start3A_159 = arith.constant 0 : i32
        %dma_start3A_160 = tpu.memref_slice %arg6[%arg0, %dma_start3A_158, %dma_start3A_159] : memref<2x10000x128xf32, #tpu.memory_space<hbm>> -> memref<1x16x128xf32, #tpu.memory_space<hbm>>
        %dma_start3A_161 = tpu.memref_squeeze %dma_start3A_160 : memref<1x16x128xf32, #tpu.memory_space<hbm>> -> memref<16x128xf32, #tpu.memory_space<hbm>>
        %dma_start3A_162 = arith.constant 9984 : i32
        %dma_start3A_163 = arith.constant 0 : i32
        %dma_start3A_164 = tpu.memref_slice %arg11[%dma_start3A_162, %dma_start3A_163] : memref<10000x128xf32, #tpu.memory_space<vmem_shared>> -> memref<16x128xf32, #tpu.memory_space<vmem_shared>>
        tpu.enqueue_dma source(%dma_start3A_164 : memref<16x128xf32, #tpu.memory_space<vmem_shared>>) target(%dma_start3A_161 : memref<16x128xf32, #tpu.memory_space<hbm>>) target_semaphore(%run_scoped3A : memref<!tpu.dma_semaphore, #tpu.memory_space<semaphore_mem>>)
        %dma_wait3A_165 = arith.constant 9984 : i32
        %dma_wait3A_166 = arith.constant 0 : i32
        %dma_wait3A_167 = tpu.memref_slice %arg6[%arg0, %dma_wait3A_165, %dma_wait3A_166] : memref<2x10000x128xf32, #tpu.memory_space<hbm>> -> memref<1x16x128xf32, #tpu.memory_space<hbm>>
        %dma_wait3A_168 = tpu.memref_squeeze %dma_wait3A_167 : memref<1x16x128xf32, #tpu.memory_space<hbm>> -> memref<16x128xf32, #tpu.memory_space<hbm>>
        %dma_wait3A_169 = arith.constant 9984 : i32
        %dma_wait3A_170 = arith.constant 0 : i32
        %dma_wait3A_171 = tpu.memref_slice %arg11[%dma_wait3A_169, %dma_wait3A_170] : memref<10000x128xf32, #tpu.memory_space<vmem_shared>> -> memref<16x128xf32, #tpu.memory_space<vmem_shared>>
        tpu.wait_dma2 semaphore(%run_scoped3A : memref<!tpu.dma_semaphore, #tpu.memory_space<semaphore_mem>>) src(%dma_wait3A_171 : memref<16x128xf32, #tpu.memory_space<vmem_shared>>) dst(%dma_wait3A_168 : memref<16x128xf32, #tpu.memory_space<hbm>>)
        tpu.yield
      }) : () -> ()
    } else {
    }
    return
  }
}

</mosaic_0001>

<sc_bundles>
// kernel: _sc_agg.3.cloned.1.call-start
scs
__scs_entry_jumppad:
0x0: {  	(pc) =	sbr.rel $0x88, $3  }
0x1: {  	(tag) =	ssettag $0x0;
	lr =	simm.s32 $0x1  }
0x2: {  	[smem:$0x3F9D] =	sst lr;
	_ =	strace $0xD0000000  }
0x3: {  	_ = 	snop  }
0x4: {  	_ = 	snop  }
0x5: {  	_ = 	snop  }
0x6: {  	_ = 	snop  }
0x7: {  	_ = 	snop  }
__scs_overlays_trampoline_lowered:
0x8: {  	[smem:$0x3FAC] =	sst s0  }
0x9: {  	[smem:$0x3FAD] =	sst s1  }
0xa: {  	[smem:$0x3FAE] =	sst s2  }
0xb: {  	[smem:$0x3FAF] =	sst s3  }
0xc: {  	[smem:$0x3FB0] =	sst s4  }
0xd: {  	[smem:$0x3FB1] =	sst s5  }
0xe: {  	[smem:$0x3FB2] =	sst s6  }
0xf: {  	[smem:$0x3FB3] =	sst s7  }
0x10: {  	[smem:$0x3FB4] =	sst s8  }
0x11: {  	[smem:$0x3FB5] =	sst s9;
	s0 =	simm.s32 @!p0 $0x0  }
0x12: {  	s1 =	sld [smem:$0x3F9B];
	s0 =	simm.s32 @p0 $0x1  }
0x13: {  	[smem:$0x3FB6] =	sst s0;
	s0 =	simm.s32 @!p1 $0x0  }
0x14: {  	s2 =	sld [smem:$0x3F9A];
	s0 =	simm.s32 @p1 $0x1  }
0x15: {  	[smem:$0x3FB7] =	sst s0;
	s0 =	simm.s32 @!p2 $0x0  }
0x16: {  	s3 =	sld [smem:$0x3FDB];
	s0 =	simm.s32 @p2 $0x1  }
0x17: {  	s4 =	simm.s32 $0x1BF5;
	[smem:$0x3FB9] =	sst s0  }
0x18: {  	s0 =	sld [smem:$0x3F9C];
	_ =	swait.ge [sflag:s4], $0x0  }
0x19: {  	s7 =	sld [smem:$0x3F9D]  }
0x1a: {  	s8 =	sadd.s32 $0xFFFFE003, lr  }
0x1b: {  	s9 =	sadd.s32 $0xFFFFFEF7, lr;
	s5 =	simm.s32 $0xFFFFFFFF;
	p2 =	slt.u32 s8, $0xFFFFF086  }
0x1c: {  	p1 =	slt.u32 s9, $0xF7A;
	s5 =	simm.s32 @!p2 $0x0  }
0x1d: {  	s5 =	simm.s32 @p1 $0x1;
	p0 =	seq.s32 s7, s2  }
0x1e: {  	s7 =	smul.u32 @!p0 $0xF7A, s2;
	p2 =	seq.s32 @!p0 s5, $0x0  }
0x1f: {  	s9 =	smul.u32 $0xF7A, s1;
	s8 =	simm.s32 @!p0 $0x1BF5;
	p2 =	por !p2, p0  }
0x20: {  	[sflag:s8] =	ssyncset.s32 @!p0 $0xFFFFF086;
	s6 =	sadd.s32 @!p0 s3, s7;
	s7 =	simm.s32 @!p0 $0x108  }
0x21: {  	s3 =	sadd.s32 s3, s9;
	s6 =	sadd.s32 @!p0 $0x88, s6;
	s7 =	simm.s32 @p2 $0x1082  }
0x22: {  	[simem:s7], [sflag:s8] =	dma.local @!p0 [hbm:s6], $0xF7A  }
0x23: {  	s9 =	sor.u32 $0xD0000000, s2;
	s6 =	simm.s32 $0x108;
	_ =	swait.ge @!p0 [sflag:s8], $0x0  }
0x24: {  	s3 =	sadd.s32 $0x88, s3;
	s6 =	simm.s32 @!p1 $0x1082;
	[sflag:s4] =	ssyncset.s32 $0xFFFFF086  }
0x25: {  	[simem:s6], [sflag:s4] =	dma.local [hbm:s3], $0xF7A  }
0x26: {  	[smem:$0x3F9D] =	sst s1;
	(tag) =	ssettag s2;
	_ =	strace s9  }
0x27: {  	s1 =	sld [smem:$0x3FAD]  }
0x28: {  	s2 =	sld [smem:$0x3FAE]  }
0x29: {  	s4 =	sld [smem:$0x3FB0]  }
0x2a: {  	p0 =	seq.s32 s5, $0x0;
	s5 =	sld [smem:$0x3FB1]  }
0x2b: {  	s6 =	sld [smem:$0x3FB2]  }
0x2c: {  	s7 =	sld [smem:$0x3FB3]  }
0x2d: {  	s3 =	simm.s32 $0x108;
	s8 =	sld [smem:$0x3FB4]  }
0x2e: {  	s3 =	simm.s32 @!p0 $0x1082;
	s9 =	sld [smem:$0x3FB5]  }
0x2f: {  	lr =	sadd.s32 s0, s3;
	s0 =	sld [smem:$0x3FAC]  }
0x30: {  	s3 =	sld [smem:$0x3FAF]  }
0x31: {  	[smem:$0x3FB8] =	sst s10  }
0x32: {  	s10 =	sld [smem:$0x3FB6];
	_ =	sdelay $0x3  }
0x33: {  	p0 =	seq.s32 s10, $0x1;
	s10 =	sld [smem:$0x3FB8];
	_ =	sdelay $0x3  }
0x34: {  	[smem:$0x3FB8] =	sst s10  }
0x35: {  	s10 =	sld [smem:$0x3FB7];
	_ =	sdelay $0x3  }
0x36: {  	p1 =	seq.s32 s10, $0x1;
	s10 =	sld [smem:$0x3FB8];
	_ =	sdelay $0x3  }
0x37: {  	[smem:$0x3FB8] =	sst s10  }
0x38: {  	s10 =	sld [smem:$0x3FB9]  }
0x39: {  	_ = 	snop;
	(pc) =	sbr.ind lr, $3  }
0x3a: {  	_ = 	snop  }
0x3b: {  	_ = 	snop  }
0x3c: {  	p2 =	seq.s32 s10, $0x1;
	s10 =	sld [smem:$0x3FB8]  }
0x3d: {  	_ =	shalt  }
0x3e: {  	_ =	shalt  }
0x3f: {  	_ =	shalt  }
0x40: {  	_ =	shalt  }
0x41: {  	_ =	shalt  }
0x42: {  	_ =	shalt  }
0x43: {  	_ =	shalt  }
0x44: {  	_ =	shalt  }
0x45: {  	_ =	shalt  }
0x46: {  	_ =	shalt  }
0x47: {  	_ =	shalt  }
0x48: {  	_ =	shalt  }
0x49: {  	_ =	shalt  }
0x4a: {  	_ =	shalt  }
0x4b: {  	_ =	shalt  }
0x4c: {  	_ =	shalt  }
0x4d: {  	_ =	shalt  }
0x4e: {  	_ =	shalt  }
0x4f: {  	_ =	shalt  }
0x50: {  	_ =	shalt  }
0x51: {  	_ =	shalt  }
0x52: {  	_ =	shalt  }
0x53: {  	_ =	shalt  }
0x54: {  	_ =	shalt  }
0x55: {  	_ =	shalt  }
0x56: {  	_ =	shalt  }
0x57: {  	_ =	shalt  }
0x58: {  	_ =	shalt  }
0x59: {  	_ =	shalt  }
0x5a: {  	_ =	shalt  }
0x5b: {  	_ =	shalt  }
0x5c: {  	_ =	shalt  }
0x5d: {  	_ =	shalt  }
0x5e: {  	_ =	shalt  }
0x5f: {  	_ =	shalt  }
0x60: {  	_ =	shalt  }
0x61: {  	_ =	shalt  }
0x62: {  	_ =	shalt  }
0x63: {  	_ =	shalt  }
0x64: {  	_ =	shalt  }
0x65: {  	_ =	shalt  }
0x66: {  	_ =	shalt  }
0x67: {  	_ =	shalt  }
0x68: {  	_ =	shalt  }
0x69: {  	_ =	shalt  }
0x6a: {  	_ =	shalt  }
0x6b: {  	_ =	shalt  }
0x6c: {  	_ =	shalt  }
0x6d: {  	_ =	shalt  }
0x6e: {  	_ =	shalt  }
0x6f: {  	_ =	shalt  }
0x70: {  	_ =	shalt  }
0x71: {  	_ =	shalt  }
0x72: {  	_ =	shalt  }
0x73: {  	_ =	shalt  }
0x74: {  	_ =	shalt  }
0x75: {  	_ =	shalt  }
0x76: {  	_ =	shalt  }
0x77: {  	_ =	shalt  }
0x78: {  	_ =	shalt  }
0x79: {  	_ =	shalt  }
0x7a: {  	_ =	shalt  }
0x7b: {  	_ =	shalt  }
0x7c: {  	_ =	shalt  }
0x7d: {  	_ =	shalt  }
0x7e: {  	_ =	shalt  }
0x7f: {  	_ =	shalt  }
0x80: {  	_ =	shalt  }
0x81: {  	_ =	shalt  }
0x82: {  	_ =	shalt  }
0x83: {  	_ =	shalt  }
0x84: {  	_ =	shalt  }
0x85: {  	_ =	shalt  }
0x86: {  	_ =	shalt  }
0x87: {  	_ =	shalt  }
.Lfunc_end0:
.L_simem_size_0:
called_computation_lowered:
.L_overlay_start_0:
0x88: {  	s2 =	sld [smem:$0x3FD9]  }
0x89: {  	s3 =	sld [smem:$0x3FFE];
	_ =	sdelay $0x1  }
0x8a: {  	s1 =	srdreg.scid  }
0x8b: {  	s0 =	sand.u32 $0x1, s1  }
0x8c: {  	s17 =	sshll.u32 s0, $0xA;
	s2 =	sadd.s32 s3, s2  }
0x8d: {  	s2 =	sadd.s32 s2, s17  }
0x8e: {  	[smem:$0x3FC4] =	sst s2  }
0x8f: {  	_ = 	snop  }
0x90: {  	s2 =	sld [smem:$0x3FC9]  }
0x91: {  	s18 =	sld [smem:$0x3FC6]  }
0x92: {  	s4 =	sld [smem:$0x3FD0];
	(tm) =	ssettm $0x1  }
0x93: {  	s5 =	sld [smem:$0x3FFB];
	_ =	sdelay $0x3  }
0x94: {  	_ =	strace s5  }
0x95: {  	s5 =	sld [smem:$0x3FFC];
	_ =	sdelay $0x3  }
0x96: {  	_ =	strace s5  }
0x97: {  	s5 =	sld [smem:$0x3FFD];
	_ =	sdelay $0x3  }
0x98: {  	_ =	strace s5  }
0x99: {  	_ =	strace $0x8FFFFFFF  }
0x9a: {  	s19 =	sld [smem:$0x3FDB];
	_ =	sdelay $0x1  }
0x9b: {  	s6 =	simm.s32 $_scs_section_size  }
0x9c: {  	s7 =	simm.s32 $_size__tile_overlayer_lowered;
	s8 =	simm.s32 $_tile_overlayer_lowered  }
0x9d: {  	s22 =	simm.s32 $0x1BFF;
	s21 =	sshll.u32 s8, $0x1;
	s5 =	sadd.s32 s6, s19  }
0x9e: {  	s9 =	simm.s32 $0x0;
	s20 =	sshll.u32 s7, $0x1;
	s7 =	sadd.s32 s21, s5  }
0x9f: {  	[timem:s9], [sflag:s22] =	dma.local [hbm:s7], s20  }
0xa0: {  	_ =	swait.ge [sflag:s22], s20  }
0xa1: {  	s6 =	ssub.s32 $0x0, s20;
	[sflag:s22] =	ssyncset.done $0x0  }
0xa2: {  	[sflag:s22] =	ssyncadd.s32 s6;
	_ =	sdelay $0x1  }
0xa3: {  	s23 =	simm.s32 $0x1B8B  }
0xa4: {  	_ =	swait.ge [sflag:s23], $0x1  }
0xa5: {  	[sflag:s23] =	ssyncset.done $0x0  }
0xa6: {  	s25 =	simm.s32 $0x1B8E;
	s24 =	sld [smem:$0x3FFE];
	[sflag:s23] =	ssyncadd.s32 $0xFFFFFFFF  }
0xa7: {  	s26 =	simm.s32 $execute0_lowered;
	[smem:$0x3FD2] =	sst s25  }
0xa8: {  	s7 =	sshll.u32 s26, $0x1;
	_ =	strace $0x80000046;
	[dreg:$0x1] =	wrdreg $0xFFFFFFFF  }
0xa9: {  	s28 =	simm.s32 $_size_execute0_lowered;
	s5 =	sadd.s32 s5, s7;
	[dreg:$0x0] =	wrdreg $0x0  }
0xaa: {  	s7 =	sshll.u32 s28, $0x1;
	[dreg:$0x2] =	wrdreg s5  }
0xab: {  	[dreg:$0x3] =	wrdreg s7  }
0xac: {  	[dreg:$0x4] =	wrdreg $0xC0  }
0xad: {  	_ =	task [dreg:s9], $0x5FFFF  }
0xae: {  	[dreg:$0x1] =	wrdreg $0xFFFFFFFF  }
0xaf: {  	[dreg:$0x0] =	wrdreg $0x60  }
0xb0: {  	[dreg:$0x2] =	wrdreg s2  }
0xb1: {  	[dreg:$0x3] =	wrdreg s24  }
0xb2: {  	[dreg:$0x4] =	wrdreg s18  }
0xb3: {  	[dreg:$0x5] =	wrdreg s4  }
0xb4: {  	[dreg:$0x6] =	wrdreg $0x28000  }
0xb5: {  	[dreg:$0x7] =	wrdreg $0xC4800  }
0xb6: {  	[dreg:$0x8] =	wrdreg $0x9  }
0xb7: {  	_ =	task.clear_ibuf [dreg:s9], $0x9FFFF;
	_ =	strace $0x90000046  }
0xb8: {  	s29 =	simm.s32 $0x9;
	_ =	strace $0x80000048  }
0xb9: {  	_ =	swait.ge [sflag:s29], $0x1  }
0xba: {  	[sflag:s29] =	ssyncadd.s32 $0xFFFFFFFF  }
0xbb: {  	_ =	strace $0x90000048  }
0xbc: {  	_ =	sfence  }
0xbd: {  	s30 =	sld [smem:$0x0];
	_ =	sdelay $0x2  }
0xbe: {  	s31 =	sshll.u32 s1, $0xD;
	s1 =	sshrl.u32 s1, $0x2  }
0xbf: {  	s3 =	sand.u32 $0x4000, s31;
	s1 =	sadd.s32 s1, s30  }
0xc0: {  	s0 =	sor.u32 s3, s0;
	s1 =	sshll.u32 s1, $0x11  }
0xc1: {  	s0 =	sor.u32 s1, s0  }
0xc2: {  	s0 =	sadd.s32 $0x8F2B, s0  }
0xc3: {  	[sflag:s0] =	ssyncadd.remote.s32 $0x1  }
0xc4: {  	_ =	sfence.sel $0xFFFF  }
0xc5: {  	[dreg:$0x0] =	wrdreg $0xFFFFFFFF;
	(pc) =	sbr.abs _section_cstart, $3  }
0xc6: {  	[dreg:$0x1] =	wrdreg $0xFFFFFFFF  }
0xc7: {  	_ =	task.clear_ibuf [dreg:s9], $0x2FFFF;
	_ =	strace $0x9FFFFFFF  }
0xc8: {  	(tm) =	ssettm $0x7FFFFFFF  }
0xc9: {  	_ =	shalt  }
tec
execute0_lowered:
.L_overlay_start_1:
0x0: {  	(tag) =	ssettag $0x1  }
0x1: {  	s0 =	rddreg [dreg:$0x0]  }
0x2: {  	s1 =	rddreg [dreg:$0x1]  }
0x3: {  	s7 =	rddreg [dreg:$0x3]  }
0x4: {  	s2 =	rddreg [dreg:$0x4];
	s10 =	stileid.u32  }
0x5: {  	s3 =	rddreg [dreg:$0x5];
	s4 =	simm.s32 $0x0;
	s8 =	smul.u32 $0x27000, s10  }
0x6: {  	s5 =	srdreg.scid;
	s30 =	simm.s32 $0x3;
	s14 =	smul.u32 $0x1380, s10  }
0x7: {  	s31 =	simm.s32 $0x20;
	s28 =	simm.s32 $0x1800;
	s22 =	smul.u32 $0x4E200, s10  }
0x8: {  	s29 =	simm.s32 $0x2;
	[smem:$0x7FF] =	sst s4;
	s18 =	smul.u32 $0x13800, s10  }
0x9: {  	s12 =	sand.u32 $0x1, s5;
	s5 =	sadd.s32 $0x28600, s1;
	s24 =	smul.u32 $0x4E000, s10  }
0xa: {  	s6 =	sadd.s32 $0x600, s1;
	s21 =	sshll.u32 s10, $0x6;
	s11 =	smul.u32 $0x13880, s12  }
0xb: {  	s15 =	sadd.s32 $0x9C000, s2;
	p0 =	sne.s32 s10, $0x0;
	s20 =	smul.u32 $0x9C400, s12  }
0xc: {  	_ =	strace $0x80000047;
	s9 =	ssub.s32 $0x2, s12;
	s23 =	smul.u32 $0x140000, s12  }
0xd: {  	s12 =	smul.u32 $0x138800, s12;
	s13 =	sshrl.u32 s9, $0x1;
	s8 =	sshrl.u32 s8, $0x2  }
0xe: {  	s13 =	ssub.s32 s9, s13;
	s26 =	sadd.s32 s8, s2;
	s19 =	sadd.s32 s14, s11  }
0xf: {  	s9 =	sshrl.u32 s20, $0x3;
	s11 =	sshrl.u32 s22, $0x2;
	s25 =	sadd.s32 s18, s12  }
0x10: {  	s12 =	sshrl.u32 s12, $0x3;
	s20 =	simm.s32 $0x5;
	s8 =	sadd.s32 s0, s19  }
0x11: {  	s0 =	sadd.s32 s0, s9;
	s9 =	smul.u32 $0x14000, s10;
	s16 =	sadd.s32 s11, s3  }
0x12: {  	s1 =	smax.u32 s13, $0x1;
	s26 =	sshrl.u32 s26, $0x3;
	[dreg:$0x7] =	wrdreg s8  }
0x13: {  	s8 =	sor.u32 $0x1C05, s21;
	s0 =	sadd.s32 $0x13800, s0;
	[dreg:$0xf] =	wrdreg s1  }
0x14: {  	[dreg:$0x10] =	wrdreg s26;
	s1 =	sshrl.u32 @!p0 s15, $0x3;
	s26 =	simm.s32 $0x1  }
0x15: {  	[dreg:$0x8] =	wrdreg s0;
	s0 =	sadd.s32 $0x9C400, s2;
	s17 =	sshrl.u32 s9, $0x3  }
0x16: {  	s11 =	sadd.s32 s9, s23;
	[dreg:$0x11] =	wrdreg s1;
	s17 =	sadd.s32 s6, s17  }
0x17: {  	s14 =	sshrl.u32 s11, $0x3;
	s0 =	sshrl.u32 @!p0 s0, $0x3;
	[dreg:$0xa] =	wrdreg s17  }
0x18: {  	s23 =	sshrl.u32 s16, $0x3;
	s19 =	sadd.s32 s5, s14;
	[dreg:$0x12] =	wrdreg s0  }
0x19: {  	s1 =	simm.s32 $0x0;
	s17 =	sadd.s32 $0x40, s17;
	[dreg:$0x9] =	wrdreg s19  }
0x1a: {  	s14 =	sshrl.u32 s24, $0x2;
	[dreg:$0xc] =	wrdreg s17;
	s17 =	sshrl.u32 s25, $0x3  }
0x1b: {  	s19 =	sadd.s32 $0x40, s19;
	s17 =	sadd.s32 s7, s17;
	s7 =	sadd.s32 s7, s12  }
0x1c: {  	s0 =	simm.s32 $0x800;
	[dreg:$0xb] =	wrdreg s19;
	s7 =	sadd.s32 $0x27000, s7  }
0x1d: {  	s14 =	sadd.s32 s14, s3;
	[dreg:$0xe] =	wrdreg s7;
	s7 =	sadd.s32 $0x138000, s3  }
0x1e: {  	s24 =	sshrl.u32 s14, $0x3;
	[dreg:$0xd] =	wrdreg s17;
	s25 =	sshrl.u32 @!p0 s7, $0x3  }
.LBB2_1:
0x1f: {  	s7 =	rddreg [dreg:$0x7]  }
0x20: {  	s10 =	rddreg [dreg:$0x10]  }
0x21: {  	[spmem:s10], [sflag:s8] =	dma.local [hbm:s7], $0x1380  }
0x22: {  	_ =	swait.ge [sflag:s20], $0x1380  }
0x23: {  	[sflag:s20] =	ssyncset.done $0x0;
	s7 =	rddreg [dreg:$0x8]  }
0x24: {  	s10 =	rddreg [dreg:$0x11];
	[sflag:s20] =	ssyncadd.s32 $0xFFFFEC80  }
0x25: {  	[spmem:s10], [sflag:s8] =	dma.local @!p0 [hbm:s7], $0x80  }
0x26: {  	s7 =	simm.s32 @!p0 $0x5  }
0x27: {  	_ =	swait.ge @!p0 [sflag:s7], $0x80  }
0x28: {  	[sflag:s7] =	ssyncset.done @!p0 $0x0  }
0x29: {  	s12 =	rddreg [dreg:$0x12];
	[sflag:s7] =	ssyncadd.s32 @!p0 $0xFFFFFF80  }
0x2a: {  	s10 =	rddreg [dreg:$0x2]  }
0x2b: {  	[spmem:s12], [sflag:s8] =	dma.local @!p0 [hbm:s10], $0x80  }
0x2c: {  	_ =	swait.ge @!p0 [sflag:s7], $0x80  }
0x2d: {  	[sflag:s7] =	ssyncset.done @!p0 $0x0  }
0x2e: {  	[sflag:s7] =	ssyncadd.s32 @!p0 $0xFFFFFF80  }
0x2f: {  	[spmem:s23], [sflag:s8] =	dma.local [hbm:s10], $0x2710  }
0x30: {  	_ =	swait.ge [sflag:s20], $0x2710  }
0x31: {  	[sflag:s20] =	ssyncset.done $0x0  }
0x32: {  	s10 =	rddreg [dreg:$0x9];
	[sflag:s20] =	ssyncadd.s32 $0xFFFFD8F0  }
0x33: {  	[tilespmem:s4], [sflag:$0x3] =	stream.linear.gather [hbm4b:s10+s4], $0x200, $0x38;
	[tilespmem:$0x1FD00] =	vst v63  }
0x34: {  	s13 =	simm.s32 $0x400;
	s12 =	rddreg [dreg:$0xa]  }
0x35: {  	[tilespmem:s13], [sflag:$0x3] =	stream.linear.gather [hbm4b:s12+s4], $0x200, $0x38;
	[tilespmem:$0x1FD00] =	vst v63  }
0x36: {  	s15 =	simm.s32 $0x200;
	s14 =	rddreg [dreg:$0xb]  }
0x37: {  	[tilespmem:s15], [sflag:$0x4] =	stream.linear.gather [hbm4b:s14+s4], $0x200, $0x38;
	[tilespmem:$0x1FD00] =	vst v63  }
0x38: {  	s17 =	simm.s32 $0x600;
	s16 =	rddreg [dreg:$0xc]  }
0x39: {  	[tilespmem:s17], [sflag:$0x4] =	stream.linear.gather [hbm4b:s16+s4], $0x200, $0x38;
	[tilespmem:$0x1FD00] =	vst v63  }
0x3a: {  	_ =	swait.ge [sflag:s30], $0x200  }
0x3b: {  	[sflag:s30] =	ssyncset.done $0x0  }
0x3c: {  	[sflag:s30] =	ssyncadd.s32 $0xFFFFFE00  }
0x3d: {  	_ =	swait.ge [sflag:s30], $0x200  }
0x3e: {  	[sflag:s30] =	ssyncset.done $0x0  }
0x3f: {  	[sflag:s30] =	ssyncadd.s32 $0xFFFFFE00  }
0x40: {  	[bflag:$0x0] =	sbarrier.arrive $0xFFFF  }
0x41: {  	[tilespmem:s0], [sflag:$0x1] =	stream.indirect.gather [spmem:s2], $0x80, s4, s31, $0xb8;
	[tilespmem:$0x1FD00] =	vst v63  }
0x42: {  	s12 =	sand.u32 $0x1, s4;
	_ =	swait.ge [sflag:s26], $0x1000  }
0x43: {  	s7 =	sshll.u32 s12, $0x9;
	[sflag:s26] =	ssyncset.done $0x0  }
0x44: {  	s18 =	sor.u32 $0x80, s7;
	[sflag:s26] =	ssyncadd.s32 $0xFFFFF000  }
0x45: {  	[tilespmem:s28], [sflag:$0x2] =	stream.indirect.gather [spmem:s2], $0x80, s18, s31, $0xb8;
	[tilespmem:$0x1FD00] =	vst v63  }
0x46: {  	s10 =	sor.u32 $0x400, s7  }
0x47: {  	[spmem:s3] =	stream.indirect.scatter.add.f32 [tilespmem:s0], [sflag:$0x5], $0x80, s10, s31, $0xb8;
	[tilespmem:$0x1FD00] =	vst v63  }
0x48: {  	_ =	swait.ge [sflag:s20], $0x1000  }
0x49: {  	[sflag:s20] =	ssyncset.done $0x0  }
0x4a: {  	[sflag:s20] =	ssyncadd.s32 $0xFFFFF000  }
0x4b: {  	_ =	swait.ge [sflag:s29], $0x1000  }
0x4c: {  	[sflag:s29] =	ssyncset.done $0x0  }
0x4d: {  	s13 =	sor.u32 $0x100, s7;
	[sflag:s29] =	ssyncadd.s32 $0xFFFFF000  }
0x4e: {  	[tilespmem:s0], [sflag:$0x1] =	stream.indirect.gather [spmem:s2], $0x80, s13, s31, $0xb8;
	[tilespmem:$0x1FD00] =	vst v63  }
0x4f: {  	s19 =	sor.u32 $0x480, s7  }
0x50: {  	[spmem:s3] =	stream.indirect.scatter.add.f32 [tilespmem:s28], [sflag:$0x5], $0x80, s19, s31, $0xb8;
	[tilespmem:$0x1FD00] =	vst v63  }
0x51: {  	_ =	swait.ge [sflag:s20], $0x1000  }
0x52: {  	[sflag:s20] =	ssyncset.done $0x0  }
0x53: {  	[sflag:s20] =	ssyncadd.s32 $0xFFFFF000  }
0x54: {  	_ =	swait.ge [sflag:s26], $0x1000  }
0x55: {  	[sflag:s26] =	ssyncset.done $0x0  }
0x56: {  	s21 =	sor.u32 $0x180, s7;
	[sflag:s26] =	ssyncadd.s32 $0xFFFFF000  }
0x57: {  	[tilespmem:s28], [sflag:$0x2] =	stream.indirect.gather [spmem:s2], $0x80, s21, s31, $0xb8;
	[tilespmem:$0x1FD00] =	vst v63  }
0x58: {  	s14 =	sor.u32 $0x500, s7  }
0x59: {  	[spmem:s3] =	stream.indirect.scatter.add.f32 [tilespmem:s0], [sflag:$0x5], $0x80, s14, s31, $0xb8;
	[tilespmem:$0x1FD00] =	vst v63  }
0x5a: {  	_ =	swait.ge [sflag:s20], $0x1000  }
0x5b: {  	[sflag:s20] =	ssyncset.done $0x0  }
0x5c: {  	[sflag:s20] =	ssyncadd.s32 $0xFFFFF000  }
0x5d: {  	p1 =	por $0x0, $0x0;
	_ =	swait.ge [sflag:s29], $0x1000  }
0x5e: {  	s15 =	sxor.u32 @!p1 $0x1, s12;
	[sflag:s29] =	ssyncset.done $0x0  }
0x5f: {  	s16 =	sadd.s32 @!p1 $0x3, s15;
	[sflag:s29] =	ssyncadd.s32 $0xFFFFF000  }
0x60: {  	_ =	swait.ge @!p1 [sflag:s16], $0x200  }
0x61: {  	[sflag:s16] =	ssyncset.done @!p1 $0x0  }
0x62: {  	[sflag:s16] =	ssyncadd.s32 @!p1 $0xFFFFFE00  }
0x63: {  	p3 =	por $0x0, $0x0;
	_ =	swait.ge @!p1 [sflag:s16], $0x200  }
0x64: {  	s15 =	sshll.u32 @!p1 s15, $0x9;
	s17 =	simm.s32 @!p1 $0x800;
	[sflag:s16] =	ssyncset.done @!p1 $0x0  }
0x65: {  	s13 =	sand.u32 @!p3 $0x1FC00, s4;
	[sflag:s16] =	ssyncadd.s32 @!p1 $0xFFFFFE00;
	s16 =	simm.s32 @!p1 $0x20  }
0x66: {  	[tilespmem:s17], [sflag:$0x1] =	stream.indirect.gather @!p1 [spmem:s2], $0x80, s15, s16, $0xb8;
	[tilespmem:$0x1FD00] =	vst v63  }
0x67: {  	s22 =	sor.u32 $0x400, s21;
	s14 =	simm.s32 $0x200;
	s15 =	sadd.s32 @!p3 $0x400, s13  }
0x68: {  	s17 =	sadd.s32 @!p3 $0x3, s12;
	s16 =	sand.u32 @!p3 $0x200, s4;
	s12 =	sadd.s32 @!p3 s11, s15  }
0x69: {  	[spmem:s3] =	stream.indirect.scatter.add.f32 [tilespmem:s28], [sflag:$0x5], $0x80, s22, s31, $0xb8;
	[tilespmem:$0x1FD00] =	vst v63  }
0x6a: {  	s13 =	simm.s32 @!p3 $0x0;
	s15 =	sadd.s32 @!p3 s9, s15;
	s12 =	sor.u32 @!p3 s16, s12  }
0x6b: {  	s15 =	sor.u32 @!p3 s16, s15;
	_ =	swait.ge [sflag:s20], $0x1000;
	s12 =	sshrl.u32 @!p3 s12, $0x3  }
0x6c: {  	s15 =	sshrl.u32 @!p3 s15, $0x3;
	[sflag:s20] =	ssyncset.done $0x0;
	s12 =	sadd.s32 @!p3 s5, s12  }
0x6d: {  	s18 =	sadd.s32 @!p3 s6, s15;
	s15 =	simm.s32 $0x1;
	[sflag:s20] =	ssyncadd.s32 $0xFFFFF000  }
.LBB2_2:
0x6e: {  	[tilespmem:s7], [sflag:s17] =	stream.linear.gather @!p3 [hbm4b:s12+s13], $0x200, $0x38;
	[tilespmem:$0x1FD00] =	vst v63  }
0x6f: {  	s12 =	smov.u32 s14  }
0x70: {  	s16 =	sand.u32 $0x1, s15;
	p2 =	seq.s32 s15, $0x9F;
	s14 =	sadd.s32 $0x200, s14  }
0x71: {  	[tilespmem:s10], [sflag:s17] =	stream.linear.gather @!p3 [hbm4b:s18+s13], $0x200, $0x38;
	[tilespmem:$0x1FD00] =	vst v63  }
0x72: {  	s7 =	sshll.u32 s16, $0x9;
	s17 =	sxor.u32 @!p2 $0x1, s16;
	_ =	swait.ge [sflag:s26], $0x1000  }
0x73: {  	s10 =	sor.u32 $0x80, s7;
	s13 =	sshll.u32 @!p2 s17, $0x9;
	[sflag:s26] =	ssyncset.done $0x0  }
0x74: {  	p1 =	sne.s32 s14, $0x14000;
	[sflag:s26] =	ssyncadd.s32 $0xFFFFF000  }
0x75: {  	[tilespmem:s28], [sflag:$0x2] =	stream.indirect.gather [spmem:s2], $0x80, s10, s31, $0xb8;
	[tilespmem:$0x1FD00] =	vst v63  }
0x76: {  	s10 =	sor.u32 $0x400, s7  }
0x77: {  	[spmem:s3] =	stream.indirect.scatter.add.f32 [tilespmem:s0], [sflag:$0x5], $0x80, s10, s31, $0xb8;
	[tilespmem:$0x1FD00] =	vst v63  }
0x78: {  	_ =	swait.ge [sflag:s20], $0x1000  }
0x79: {  	[sflag:s20] =	ssyncset.done $0x0  }
0x7a: {  	[sflag:s20] =	ssyncadd.s32 $0xFFFFF000  }
0x7b: {  	_ =	swait.ge [sflag:s29], $0x1000  }
0x7c: {  	s18 =	sor.u32 $0x100, s7;
	[sflag:s29] =	ssyncset.done $0x0  }
0x7d: {  	[sflag:s29] =	ssyncadd.s32 $0xFFFFF000  }
0x7e: {  	[tilespmem:s0], [sflag:$0x1] =	stream.indirect.gather [spmem:s2], $0x80, s18, s31, $0xb8;
	[tilespmem:$0x1FD00] =	vst v63  }
0x7f: {  	s18 =	sor.u32 $0x480, s7  }
0x80: {  	[spmem:s3] =	stream.indirect.scatter.add.f32 [tilespmem:s28], [sflag:$0x5], $0x80, s18, s31, $0xb8;
	[tilespmem:$0x1FD00] =	vst v63  }
0x81: {  	_ =	swait.ge [sflag:s20], $0x1000  }
0x82: {  	[sflag:s20] =	ssyncset.done $0x0  }
0x83: {  	[sflag:s20] =	ssyncadd.s32 $0xFFFFF000  }
0x84: {  	_ =	swait.ge [sflag:s26], $0x1000  }
0x85: {  	s18 =	sor.u32 $0x180, s7;
	[sflag:s26] =	ssyncset.done $0x0  }
0x86: {  	[sflag:s26] =	ssyncadd.s32 $0xFFFFF000  }
0x87: {  	[tilespmem:s28], [sflag:$0x2] =	stream.indirect.gather [spmem:s2], $0x80, s18, s31, $0xb8;
	[tilespmem:$0x1FD00] =	vst v63  }
0x88: {  	s19 =	sor.u32 $0x500, s7  }
0x89: {  	[spmem:s3] =	stream.indirect.scatter.add.f32 [tilespmem:s0], [sflag:$0x5], $0x80, s19, s31, $0xb8;
	[tilespmem:$0x1FD00] =	vst v63  }
0x8a: {  	_ =	swait.ge [sflag:s20], $0x1000  }
0x8b: {  	[sflag:s20] =	ssyncset.done $0x0  }
0x8c: {  	[sflag:s20] =	ssyncadd.s32 $0xFFFFF000  }
0x8d: {  	_ =	swait.ge [sflag:s29], $0x1000  }
0x8e: {  	s19 =	sadd.s32 @!p2 $0x3, s17;
	[sflag:s29] =	ssyncset.done $0x0  }
0x8f: {  	[sflag:s29] =	ssyncadd.s32 $0xFFFFF000  }
0x90: {  	_ =	swait.ge @!p2 [sflag:s19], $0x200  }
0x91: {  	[sflag:s19] =	ssyncset.done @!p2 $0x0  }
0x92: {  	[sflag:s19] =	ssyncadd.s32 @!p2 $0xFFFFFE00  }
0x93: {  	s21 =	simm.s32 @!p2 $0x800;
	p3 =	sgt.u32 s15, $0x9D;
	_ =	swait.ge @!p2 [sflag:s19], $0x200  }
0x94: {  	s22 =	simm.s32 @!p2 $0x20;
	s17 =	sadd.s32 @!p3 $0x3, s16;
	[sflag:s19] =	ssyncset.done @!p2 $0x0  }
0x95: {  	s16 =	sor.u32 $0x400, s18;
	s18 =	sand.u32 @!p3 $0x1FC00, s12;
	[sflag:s19] =	ssyncadd.s32 @!p2 $0xFFFFFE00  }
0x96: {  	[tilespmem:s21], [sflag:$0x1] =	stream.indirect.gather @!p2 [spmem:s2], $0x80, s13, s22, $0xb8;
	[tilespmem:$0x1FD00] =	vst v63  }
0x97: {  	s12 =	sand.u32 @!p3 $0x200, s12;
	s18 =	sadd.s32 @!p3 $0x400, s18;
	s13 =	simm.s32 @!p3 $0x0  }
0x98: {  	[spmem:s3] =	stream.indirect.scatter.add.f32 [tilespmem:s28], [sflag:$0x5], $0x80, s16, s31, $0xb8;
	[tilespmem:$0x1FD00] =	vst v63  }
.Ltmp0:
0x99: {  	_ = 	snop;
	(pc) =	sbr.rel @p1 .LBB2_2-.Ltmp0, $4  }
0x9a: {  	s16 =	sadd.s32 @!p3 s11, s18;
	s18 =	sadd.s32 @!p3 s9, s18;
	_ =	swait.ge [sflag:s20], $0x1000  }
0x9b: {  	s16 =	sor.u32 @!p3 s12, s16;
	s12 =	sor.u32 @!p3 s12, s18;
	[sflag:s20] =	ssyncset.done $0x0  }
0x9c: {  	s16 =	sshrl.u32 @!p3 s16, $0x3;
	s18 =	sshrl.u32 @!p3 s12, $0x3;
	[sflag:s20] =	ssyncadd.s32 $0xFFFFF000  }
0x9d: {  	s15 =	sadd.s32 $0x1, s15;
	s12 =	sadd.s32 @!p3 s5, s16;
	s18 =	sadd.s32 @!p3 s6, s18  }
0x9e: {  	[tilespmem:s7], [sflag:s17] =	stream.linear.gather @!p3 [hbm4b:s12+s13], $0x200, $0x38;
	[tilespmem:$0x1FD00] =	vst v63  }
0x9f: {  	_ = 	snop  }
0xa0: {  	[tilespmem:s10], [sflag:s17] =	stream.linear.gather @!p3 [hbm4b:s18+s13], $0x200, $0x38;
	[tilespmem:$0x1FD00] =	vst v63  }
0xa1: {  	[bflag:$0x0] =	sbarrier.arrive $0xFFFF  }
0xa2: {  	s21 =	rddreg [dreg:$0xd]  }
0xa3: {  	[hbm:s21], [sflag:s8] =	dma.local [spmem:s24], $0x2700  }
0xa4: {  	_ =	swait.ge [sflag:s20], $0x2700  }
0xa5: {  	[sflag:s20] =	ssyncset.done $0x0  }
0xa6: {  	s7 =	rddreg [dreg:$0xe];
	[sflag:s20] =	ssyncadd.s32 $0xFFFFD900  }
0xa7: {  	[hbm:s7], [sflag:s8] =	dma.local @!p0 [spmem:s25], $0x100  }
0xa8: {  	s7 =	simm.s32 @!p0 $0x5  }
0xa9: {  	_ =	swait.ge @!p0 [sflag:s7], $0x100  }
0xaa: {  	s1 =	sadd.s32 $0x1, s1;
	s22 =	rddreg [dreg:$0xf]  }
0xab: {  	p1 =	sne.s32 s1, s22  }
.Ltmp1:
0xac: {  	_ = 	snop;
	(pc) =	sbr.rel @p1 .LBB2_1-.Ltmp1, $3  }
0xad: {  	_ =	sdelay $0x1  }
0xae: {  	[sflag:s7] =	ssyncset.done @!p0 $0x0  }
0xaf: {  	[sflag:s7] =	ssyncadd.s32 @!p0 $0xFFFFFF00  }
0xb0: {  	_ =	sfence.sel $0x180000  }
0xb1: {  	[bflag:$0x0] =	sbarrier.arrive $0xFFFF  }
0xb2: {  	_ =	strace $0x90000047  }
0xb3: {  	[bflag:$0x2] =	sbarrier.arrive $0xFFFF  }
0xb4: {  	s0 =	rddreg [dreg:$0x6]  }
0xb5: {  	s0 =	sadd.s32 @!p0 $0x100000, s0  }
0xb6: {  	[sflag:s0] =	ssyncadd.tile.s32 @!p0 $0x1;
	_ =	shalt  }
.Lfunc_end2:
_tile_overlayer_lowered:
.L_overlay_start_2:
0xb7: {  	(tag) =	ssettag $0x2  }
0xb8: {  	s0 =	rddreg [dreg:$0x0];
	s2 =	stileid.u32  }
0xb9: {  	s1 =	rddreg [dreg:$0x1];
	p0 =	sne.s32 s2, $0x0  }
0xba: {  	s3 =	rddreg [dreg:$0x2];
	[bflag:$0x3] =	sbarrier.arrive $0xFFFF;
	s2 =	simm.s32 @!p0 $0x1C05  }
0xbb: {  	[timem:s3], [sflag:s2] =	dma.local @!p0 [hbm:s0], s1  }
0xbc: {  	s0 =	simm.s32 @!p0 $0x5  }
0xbd: {  	_ =	swait.ge @!p0 [sflag:s0], s1  }
0xbe: {  	s1 =	ssub.s32 @!p0 $0x0, s1;
	[sflag:s0] =	ssyncset.done @!p0 $0x0  }
0xbf: {  	[sflag:s0] =	ssyncadd.s32 @!p0 s1  }
0xc0: {  	[bflag:$0x3] =	sbarrier.arrive $0xFFFF  }
0xc1: {  	_ =	shalt  }

</sc_bundles>
